<compile_context>
chip_gen: v7x
topology: tpu7x:2x2x1
jax: 0.10.2.dev20260603
libtpu: 0.0.44.dev20260713+nightly
codegen_flags: <defaults>
</compile_context>

<pallas_src>
import jax
import jax.numpy as jnp
from jax import lax
from jax.experimental import pallas as pl
from jax.experimental.pallas import tpu as pltpu
from jax.experimental.pallas import tpu_sc as plsc

_NUM_CORES = 2
_NUM_SUBCORES = 16
_NW = _NUM_CORES * _NUM_SUBCORES
_CH = 40
_K = 5
_G = 4


def _make_sc_aggregate(n, d, np_, epw):
    nch = epw // _CH
    assert nch % _K == 0, "ring schedule below needs nch % _K == 0"
    mesh = plsc.VectorSubcoreMesh(core_axis_name="c", subcore_axis_name="s")
    out = jax.ShapeDtypeStruct((_NUM_CORES, np_, d), jnp.float32)
    scratch = [
        pltpu.VMEM((epw,), jnp.int32),
        pltpu.VMEM((epw,), jnp.int32),
    ]
    scratch += [pltpu.VMEM((_CH, d), jnp.float32) for _ in range(_K)]
    scratch.append(pltpu.VMEM_SHARED((np_, d), jnp.float32))
    scratch += [pltpu.SemaphoreType.DMA for _ in range(_K)]
    rows_per_sub = np_ // _NUM_SUBCORES

    def body(h_hbm, ei_hbm, z_hbm, agg_out, src_v, dst_v, *rest):
        bufs = rest[:_K]
        sh_agg = rest[_K]
        sems = rest[_K + 1:]
        c = lax.axis_index("c")
        s = lax.axis_index("s")
        w = c * _NUM_SUBCORES + s
        sl = pl.ds(s * rows_per_sub, rows_per_sub)
        zero_cp = pltpu.async_copy(z_hbm.at[sl], sh_agg.at[sl], sems[0])
        src_cp = pltpu.async_copy(ei_hbm.at[0, w, 0], src_v, sems[1])
        dst_cp = pltpu.async_copy(ei_hbm.at[1, w, 0], dst_v, sems[2])
        zero_cp.wait()
        src_cp.wait()
        dst_cp.wait()
        plsc.subcore_barrier()

        def gather(j, b):
            pltpu.async_copy(h_hbm.at[src_v.at[pl.ds(j * _CH, _CH)]],
                             bufs[b], sems[b])

        def scatter(j, b):
            pltpu.async_copy(bufs[b],
                             sh_agg.at[dst_v.at[pl.ds(j * _CH, _CH)]],
                             sems[b], add=True)

        def finish(b):
            pltpu.make_async_copy(h_hbm.at[src_v.at[pl.ds(0, _CH)]],
                                  bufs[b], sems[b]).wait()

        for g in range(_G):
            gather(g, g)

        @pl.loop(0, nch // _K)
        def _(t):
            for b in range(_K):
                j = t * _K + b
                finish(b)
                scatter(j, b)
                bb = (b + _G) % _K
                nxt = j + _G

                @pl.when(nxt < nch)
                def _():
                    @pl.when(j >= _K - _G)
                    def _():
                        finish(bb)
                    gather(nxt, bb)

        for b in range(_K):
            finish(b)
        plsc.subcore_barrier()
        pltpu.sync_copy(sh_agg.at[sl], agg_out.at[c, sl])

    return pl.kernel(body, mesh=mesh, out_type=out, scratch_types=scratch)


def _make_sc_count(np_, epw):
    mesh = plsc.VectorSubcoreMesh(core_axis_name="c", subcore_axis_name="s")
    out = jax.ShapeDtypeStruct((_NW, 1, np_), jnp.float32)
    scratch = [
        pltpu.VMEM((epw,), jnp.int32),
        pltpu.VMEM((np_,), jnp.float32),
        pltpu.SemaphoreType.DMA,
    ]
    cp = pltpu.CompilerParams(needs_layout_passes=False)

    def body(ei_hbm, cnt_out, dst_v, hist_v, sem):
        c = lax.axis_index("c")
        s = lax.axis_index("s")
        w = c * _NUM_SUBCORES + s
        dst_cp = pltpu.async_copy(ei_hbm.at[1, w, 0], dst_v, sem)

        @pl.loop(0, np_ // 16)
        def _(i):
            hist_v[pl.ds(i * 16, 16)] = jnp.zeros((16,), jnp.float32)

        dst_cp.wait()

        ones = jnp.full((16,), 1.0, jnp.float32)

        @pl.loop(0, epw // 16)
        def _(k):
            idx = dst_v[pl.ds(k * 16, 16)]
            plsc.addupdate_scatter(hist_v, [idx], ones)

        pltpu.sync_copy(hist_v, cnt_out.at[w, 0])

    return pl.kernel(body, mesh=mesh, out_type=out, scratch_types=scratch,
                     compiler_params=cp)


def _tc_layer_body(p_ref, c_ref, h_ref, wl_ref, bl_ref, wr_ref, o_ref):
    agg = p_ref[0] + p_ref[1]
    cnt = jnp.maximum(jnp.sum(c_ref[...], axis=1, keepdims=True), 1.0)
    mean = agg * (1.0 / cnt)
    dn = (((1,), (1,)), ((), ()))
    out = lax.dot_general(mean, wl_ref[...], dn,
                          preferred_element_type=jnp.float32,
                          precision=lax.Precision.HIGHEST)
    out += lax.dot_general(h_ref[...], wr_ref[...], dn,
                           preferred_element_type=jnp.float32,
                           precision=lax.Precision.HIGHEST)
    out += bl_ref[...]
    o_ref[...] = jnp.maximum(out, 0.0)


def _tc_layer(parts, cnts, h, wl, bl, wr, blk):
    n, d = h.shape
    grid = (n // blk,)
    return pl.pallas_call(
        _tc_layer_body,
        grid=grid,
        in_specs=[
            pl.BlockSpec((_NUM_CORES, blk, d), lambda i: (0, i, 0)),
            pl.BlockSpec((blk, _NW), lambda i: (i, 0)),
            pl.BlockSpec((blk, d), lambda i: (i, 0)),
            pl.BlockSpec(wl.shape, lambda i: (0, 0)),
            pl.BlockSpec((1, wl.shape[0]), lambda i: (0, 0)),
            pl.BlockSpec(wr.shape, lambda i: (0, 0)),
        ],
        out_specs=pl.BlockSpec((blk, wl.shape[0]), lambda i: (i, 0)),
        out_shape=jax.ShapeDtypeStruct((n, wl.shape[0]), jnp.float32),
    )(parts, cnts, h, wl, bl.reshape(1, -1), wr)


def kernel(x, edge_index, Wl1, bl1, Wr1, Wl2, bl2, Wr2):
    n, d = x.shape
    e = edge_index.shape[1]
    epw = e // _NW
    assert e % _NW == 0 and epw % _CH == 0 and epw % 16 == 0
    np_ = ((n + _NUM_SUBCORES * 8 - 1) // (_NUM_SUBCORES * 8)) * (_NUM_SUBCORES * 8)
    ei = edge_index.reshape(2, _NW, 1, epw)
    z_d = jnp.zeros((np_, d), jnp.float32)

    sc_agg = _make_sc_aggregate(n, d, np_, epw)
    sc_cnt = _make_sc_count(np_, epw)

    blk = 2000
    cnts = sc_cnt(ei).reshape(_NW, np_).T
    parts1 = sc_agg(x, ei, z_d)
    h1 = _tc_layer(parts1, cnts, x, Wl1, bl1, Wr1, blk)
    parts2 = sc_agg(h1, ei, z_d)
    h2 = _tc_layer(parts2, cnts, h1, Wl2, bl2, Wr2, blk)
    return h2

# --- scband reference (transcript-rebuilt; emitter-appended) ---
"""Pipeline reference for scband-sage-22170621182211 (READ-ONLY COPY).

The authoritative reference and input builder live on the scoring server;
editing this copy changes nothing except your own understanding.
"""

import jax, jax.numpy as jnp
import numpy as np

N = 10000
E = 320000
D = 128
H = 128


def setup_inputs(seed: int = 0) -> dict:
    key = jax.random.key(seed)
    ks = jax.random.split(key, 9)
    x = jax.random.normal(ks[0], (N, D), dtype=jnp.float32)
    edge_index = jax.random.randint(ks[1], (2, E), 0, N, dtype=jnp.int32)
    s1 = 1.0 / np.sqrt(D)
    s2 = 1.0 / np.sqrt(H)
    Wl1 = jax.random.uniform(ks[2], (H, D), jnp.float32, -s1, s1)
    bl1 = jax.random.uniform(ks[3], (H,), jnp.float32, -s1, s1)
    Wr1 = jax.random.uniform(ks[4], (H, D), jnp.float32, -s1, s1)
    Wl2 = jax.random.uniform(ks[5], (H, H), jnp.float32, -s2, s2)
    bl2 = jax.random.uniform(ks[6], (H,), jnp.float32, -s2, s2)
    Wr2 = jax.random.uniform(ks[7], (H, H), jnp.float32, -s2, s2)
    return {"x": x, "edge_index": edge_index, "Wl1": Wl1, "bl1": bl1, "Wr1": Wr1, "Wl2": Wl2, "bl2": bl2, "Wr2": Wr2}


def _sage_conv(h, edge_index, Wl, bl, Wr):
    # PyG SAGEConv (aggr='mean'): out = lin_l(mean_{j in N(i)} x_j) + lin_r(x_i)
    src = edge_index[0]
    dst = edge_index[1]
    msg = jnp.take(h, src, axis=0)                       # gather (SparseCore)
    agg = jax.ops.segment_sum(msg, dst, num_segments=N)  # scatter-add
    cnt = jax.ops.segment_sum(jnp.ones((edge_index.shape[1], 1), dtype=h.dtype), dst, num_segments=N)
    mean = agg / jnp.clip(cnt, 1.0)
    return mean @ Wl.T + bl + h @ Wr.T


def reference(x, edge_index, Wl1, bl1, Wr1, Wl2, bl2, Wr2):
    h = jax.nn.relu(_sage_conv(x, edge_index, Wl1, bl1, Wr1))
    h = jax.nn.relu(_sage_conv(h, edge_index, Wl2, bl2, Wr2))
    return h

if __name__ == "__main__":
    import jax
    _d = setup_inputs()
    print(jax.jit(kernel)(*tuple(_d.values())))

</pallas_src>

<mosaic_0001>
#map = affine_map<(d0, d1) -> (0, 0, 0, 0)>
#map1 = affine_map<(d0, d1) -> (0, 0, 0)>
module attributes {stable_mosaic.version = 14 : i64} {
  func.func @body(%arg0: i32, %arg1: i32, %arg2: memref<2x32x1x10000xi32, #tpu.memory_space<hbm>>, %arg3: memref<32x1x10112xf32, #tpu.memory_space<hbm>>, %arg4: memref<10000xi32, #tpu.memory_space<vmem>>, %arg5: memref<10112xf32, #tpu.memory_space<vmem>>, %arg6: memref<!tpu.dma_semaphore, #tpu.memory_space<semaphore_mem>>) attributes {dimension_semantics = [#tpu.dimension_semantics<core_parallel>, #tpu.dimension_semantics<subcore_parallel>], iteration_bounds = array<i64: 2, 16>, scalar_prefetch = 0 : i64, scratch_operands = 3 : i64, tpu.core_type = #tpu.core_type<sc_vector_subcore>, window_params = [{transform_indices = #map}, {transform_indices = #map1}]} {
    %mul3A = arith.constant 16 : i32
    %mul3A_0 = arith.muli %arg0, %mul3A : i32
    %add3A = arith.addi %mul3A_0, %arg1 : i32
    %dma_start3A = arith.constant 1 : i32
    %dma_start3A_1 = arith.constant 0 : i32
    %dma_start3A_2 = arith.constant 0 : i32
    %dma_start3A_3 = tpu.memref_slice %arg2[%dma_start3A, %add3A, %dma_start3A_1, %dma_start3A_2] : memref<2x32x1x10000xi32, #tpu.memory_space<hbm>> -> memref<1x1x1x10000xi32, #tpu.memory_space<hbm>>
    %dma_start3A_4 = tpu.memref_squeeze %dma_start3A_3 : memref<1x1x1x10000xi32, #tpu.memory_space<hbm>> -> memref<10000xi32, #tpu.memory_space<hbm>>
    %dma_start3A_5 = arith.constant 0 : i32
    %dma_start3A_6 = tpu.memref_slice %arg2[%dma_start3A, %add3A, %dma_start3A_1, %dma_start3A_5] : memref<2x32x1x10000xi32, #tpu.memory_space<hbm>> -> memref<1x1x1x10000xi32, #tpu.memory_space<hbm>>
    %dma_start3A_7 = tpu.memref_squeeze %dma_start3A_6 : memref<1x1x1x10000xi32, #tpu.memory_space<hbm>> -> memref<10000xi32, #tpu.memory_space<hbm>>
    tpu.enqueue_dma source(%dma_start3A_7 : memref<10000xi32, #tpu.memory_space<hbm>>) target(%arg4 : memref<10000xi32, #tpu.memory_space<vmem>>) target_semaphore(%arg6 : memref<!tpu.dma_semaphore, #tpu.memory_space<semaphore_mem>>)
    %scan3A = arith.constant 0 : i32
    %scan3A_8 = arith.constant 632 : i32
    %scan3A_9 = arith.addi %scan3A, %scan3A_8 : i32
    %scan3A_10 = arith.constant 1 : i32
    scf.for %scan3A_25 = %scan3A to %scan3A_9 step %scan3A_10  : i32 {
      %mul3A_26 = arith.constant 1 : i32
      %mul3A_27 = arith.muli %scan3A_25, %mul3A_26 : i32
      %add3A_28 = arith.constant 0 : i32
      %add3A_29 = arith.addi %add3A_28, %mul3A_27 : i32
      %broadcast_in_dim3A_30 = arith.constant 0.000000e+00 : f32
      %broadcast_in_dim3A_31 = vector.broadcast %broadcast_in_dim3A_30 : f32 to vector<16xf32>
      %mul3A_32 = arith.constant 16 : i32
      %mul3A_33 = arith.muli %add3A_29, %mul3A_32 : i32
      %swap3A = arith.index_cast %mul3A_33 : i32 to index
      %swap3A_34 = tpu.vector_load %arg5[%swap3A] {strides = array<i32>} : memref<10112xf32, #tpu.memory_space<vmem>>, vector<16xf32>,
      tpu.vector_store %arg5[%swap3A], %broadcast_in_dim3A_31 {strides = array<i32>} : memref<10112xf32, #tpu.memory_space<vmem>>, vector<16xf32>,
    }
    %scan3A_11 = arith.constant 632 : i32
    %dma_wait3A = arith.constant 1 : i32
    %dma_wait3A_12 = arith.constant 0 : i32
    %dma_wait3A_13 = arith.constant 0 : i32
    %dma_wait3A_14 = tpu.memref_slice %arg2[%dma_wait3A, %add3A, %dma_wait3A_12, %dma_wait3A_13] : memref<2x32x1x10000xi32, #tpu.memory_space<hbm>> -> memref<1x1x1x10000xi32, #tpu.memory_space<hbm>>
    %dma_wait3A_15 = tpu.memref_squeeze %dma_wait3A_14 : memref<1x1x1x10000xi32, #tpu.memory_space<hbm>> -> memref<10000xi32, #tpu.memory_space<hbm>>
    %dma_wait3A_16 = arith.constant 0 : i32
    %dma_wait3A_17 = tpu.memref_slice %arg2[%dma_wait3A, %add3A, %dma_wait3A_12, %dma_wait3A_16] : memref<2x32x1x10000xi32, #tpu.memory_space<hbm>> -> memref<1x1x1x10000xi32, #tpu.memory_space<hbm>>
    %dma_wait3A_18 = tpu.memref_squeeze %dma_wait3A_17 : memref<1x1x1x10000xi32, #tpu.memory_space<hbm>> -> memref<10000xi32, #tpu.memory_space<hbm>>
    tpu.wait_dma2 semaphore(%arg6 : memref<!tpu.dma_semaphore, #tpu.memory_space<semaphore_mem>>) src(%dma_wait3A_18 : memref<10000xi32, #tpu.memory_space<hbm>>) dst(%arg4 : memref<10000xi32, #tpu.memory_space<vmem>>)
    %broadcast_in_dim3A = arith.constant 1.000000e+00 : f32
    %broadcast_in_dim3A_19 = vector.broadcast %broadcast_in_dim3A : f32 to vector<16xf32>
    %scan3A_20 = arith.constant 0 : i32
    %scan3A_21 = arith.constant 625 : i32
    %scan3A_22 = arith.addi %scan3A_20, %scan3A_21 : i32
    %scan3A_23 = arith.constant 1 : i32
    scf.for %scan3A_25 = %scan3A_20 to %scan3A_22 step %scan3A_23  : i32 {
      %mul3A_26 = arith.constant 1 : i32
      %mul3A_27 = arith.muli %scan3A_25, %mul3A_26 : i32
      %add3A_28 = arith.constant 0 : i32
      %add3A_29 = arith.addi %add3A_28, %mul3A_27 : i32
      %mul3A_30 = arith.constant 16 : i32
      %mul3A_31 = arith.muli %add3A_29, %mul3A_30 : i32
      %get3A = arith.index_cast %mul3A_31 : i32 to index
      %get3A_32 = tpu.vector_load %arg4[%get3A] {strides = array<i32>} : memref<10000xi32, #tpu.memory_space<vmem>>, vector<16xi32>,
      tpu.vector_store_idx %arg5[%get3A_32], %broadcast_in_dim3A_19 {add = true} : memref<10112xf32, #tpu.memory_space<vmem>>[vector<16xi32>], vector<16xf32>,
    }
    %scan3A_24 = arith.constant 625 : i32
    %run_scoped3A = arith.constant 0 : i32
    "tpu.region"() ({
      %run_scoped3A_25 = tpu.sem_alloc : memref<!tpu.dma_semaphore, #tpu.memory_space<semaphore_mem>>
      %dma_start3A_26 = arith.constant 0 : i32
      %dma_start3A_27 = tpu.memref_slice %arg3[%add3A, %run_scoped3A, %dma_start3A_26] : memref<32x1x10112xf32, #tpu.memory_space<hbm>> -> memref<1x1x10112xf32, #tpu.memory_space<hbm>>
      %dma_start3A_28 = tpu.memref_squeeze %dma_start3A_27 : memref<1x1x10112xf32, #tpu.memory_space<hbm>> -> memref<10112xf32, #tpu.memory_space<hbm>>
      %dma_start3A_29 = arith.constant 0 : i32
      %dma_start3A_30 = tpu.memref_slice %arg3[%add3A, %run_scoped3A, %dma_start3A_29] : memref<32x1x10112xf32, #tpu.memory_space<hbm>> -> memref<1x1x10112xf32, #tpu.memory_space<hbm>>
      %dma_start3A_31 = tpu.memref_squeeze %dma_start3A_30 : memref<1x1x10112xf32, #tpu.memory_space<hbm>> -> memref<10112xf32, #tpu.memory_space<hbm>>
      tpu.enqueue_dma source(%arg5 : memref<10112xf32, #tpu.memory_space<vmem>>) target(%dma_start3A_31 : memref<10112xf32, #tpu.memory_space<hbm>>) target_semaphore(%run_scoped3A_25 : memref<!tpu.dma_semaphore, #tpu.memory_space<semaphore_mem>>)
      %dma_wait3A_32 = arith.constant 0 : i32
      %dma_wait3A_33 = tpu.memref_slice %arg3[%add3A, %run_scoped3A, %dma_wait3A_32] : memref<32x1x10112xf32, #tpu.memory_space<hbm>> -> memref<1x1x10112xf32, #tpu.memory_space<hbm>>
      %dma_wait3A_34 = tpu.memref_squeeze %dma_wait3A_33 : memref<1x1x10112xf32, #tpu.memory_space<hbm>> -> memref<10112xf32, #tpu.memory_space<hbm>>
      %dma_wait3A_35 = arith.constant 0 : i32
      %dma_wait3A_36 = tpu.memref_slice %arg3[%add3A, %run_scoped3A, %dma_wait3A_35] : memref<32x1x10112xf32, #tpu.memory_space<hbm>> -> memref<1x1x10112xf32, #tpu.memory_space<hbm>>
      %dma_wait3A_37 = tpu.memref_squeeze %dma_wait3A_36 : memref<1x1x10112xf32, #tpu.memory_space<hbm>> -> memref<10112xf32, #tpu.memory_space<hbm>>
      tpu.wait_dma2 semaphore(%run_scoped3A_25 : memref<!tpu.dma_semaphore, #tpu.memory_space<semaphore_mem>>) src(%arg5 : memref<10112xf32, #tpu.memory_space<vmem>>) dst(%dma_wait3A_37 : memref<10112xf32, #tpu.memory_space<hbm>>)
      tpu.yield
    }) : () -> ()
    return
  }
}

#map = affine_map<(d0, d1) -> (0, 0)>
#map1 = affine_map<(d0, d1) -> (0, 0, 0, 0)>
#map2 = affine_map<(d0, d1) -> (0, 0, 0)>
module attributes {stable_mosaic.version = 14 : i64} {
  func.func @body(%arg0: i32, %arg1: i32, %arg2: memref<10000x128xf32, #tpu.memory_space<hbm>>, %arg3: memref<2x32x1x10000xi32, #tpu.memory_space<hbm>>, %arg4: memref<10112x128xf32, #tpu.memory_space<hbm>>, %arg5: memref<2x10112x128xf32, #tpu.memory_space<hbm>>, %arg6: memref<10000xi32, #tpu.memory_space<vmem>>, %arg7: memref<10000xi32, #tpu.memory_space<vmem>>, %arg8: memref<40x128xf32, #tpu.memory_space<vmem>>, %arg9: memref<40x128xf32, #tpu.memory_space<vmem>>, %arg10: memref<40x128xf32, #tpu.memory_space<vmem>>, %arg11: memref<40x128xf32, #tpu.memory_space<vmem>>, %arg12: memref<40x128xf32, #tpu.memory_space<vmem>>, %arg13: memref<10112x128xf32, #tpu.memory_space<vmem_shared>>, %arg14: memref<!tpu.dma_semaphore, #tpu.memory_space<semaphore_mem>>, %arg15: memref<!tpu.dma_semaphore, #tpu.memory_space<semaphore_mem>>, %arg16: memref<!tpu.dma_semaphore, #tpu.memory_space<semaphore_mem>>, %arg17: memref<!tpu.dma_semaphore, #tpu.memory_space<semaphore_mem>>, %arg18: memref<!tpu.dma_semaphore, #tpu.memory_space<semaphore_mem>>) attributes {dimension_semantics = [#tpu.dimension_semantics<core_parallel>, #tpu.dimension_semantics<subcore_parallel>], iteration_bounds = array<i64: 2, 16>, scalar_prefetch = 0 : i64, scratch_operands = 13 : i64, tpu.core_type = #tpu.core_type<sc_vector_subcore>, window_params = [{transform_indices = #map}, {transform_indices = #map1}, {transform_indices = #map}, {transform_indices = #map2}]} {
    %mul3A = arith.constant 16 : i32
    %mul3A_0 = arith.muli %arg0, %mul3A : i32
    %add3A = arith.addi %mul3A_0, %arg1 : i32
    %mul3A_1 = arith.constant 632 : i32
    %mul3A_2 = arith.muli %arg1, %mul3A_1 : i32
    %dma_start3A = arith.constant 0 : i32
    %dma_start3A_3 = tpu.memref_slice %arg13[%mul3A_2, %dma_start3A] : memref<10112x128xf32, #tpu.memory_space<vmem_shared>> -> memref<632x128xf32, #tpu.memory_space<vmem_shared>>
    %dma_start3A_4 = arith.constant 0 : i32
    %dma_start3A_5 = tpu.memref_slice %arg4[%mul3A_2, %dma_start3A_4] : memref<10112x128xf32, #tpu.memory_space<hbm>> -> memref<632x128xf32, #tpu.memory_space<hbm>>
    tpu.enqueue_dma source(%dma_start3A_5 : memref<632x128xf32, #tpu.memory_space<hbm>>) target(%dma_start3A_3 : memref<632x128xf32, #tpu.memory_space<vmem_shared>>) target_semaphore(%arg14 : memref<!tpu.dma_semaphore, #tpu.memory_space<semaphore_mem>>)
    %dma_start3A_6 = arith.constant 0 : i32
    %dma_start3A_7 = arith.constant 0 : i32
    %dma_start3A_8 = arith.constant 0 : i32
    %dma_start3A_9 = tpu.memref_slice %arg3[%dma_start3A_6, %add3A, %dma_start3A_7, %dma_start3A_8] : memref<2x32x1x10000xi32, #tpu.memory_space<hbm>> -> memref<1x1x1x10000xi32, #tpu.memory_space<hbm>>
    %dma_start3A_10 = tpu.memref_squeeze %dma_start3A_9 : memref<1x1x1x10000xi32, #tpu.memory_space<hbm>> -> memref<10000xi32, #tpu.memory_space<hbm>>
    %dma_start3A_11 = arith.constant 0 : i32
    %dma_start3A_12 = tpu.memref_slice %arg3[%dma_start3A_6, %add3A, %dma_start3A_7, %dma_start3A_11] : memref<2x32x1x10000xi32, #tpu.memory_space<hbm>> -> memref<1x1x1x10000xi32, #tpu.memory_space<hbm>>
    %dma_start3A_13 = tpu.memref_squeeze %dma_start3A_12 : memref<1x1x1x10000xi32, #tpu.memory_space<hbm>> -> memref<10000xi32, #tpu.memory_space<hbm>>
    tpu.enqueue_dma source(%dma_start3A_13 : memref<10000xi32, #tpu.memory_space<hbm>>) target(%arg6 : memref<10000xi32, #tpu.memory_space<vmem>>) target_semaphore(%arg15 : memref<!tpu.dma_semaphore, #tpu.memory_space<semaphore_mem>>)
    %dma_start3A_14 = arith.constant 1 : i32
    %dma_start3A_15 = arith.constant 0 : i32
    %dma_start3A_16 = arith.constant 0 : i32
    %dma_start3A_17 = tpu.memref_slice %arg3[%dma_start3A_14, %add3A, %dma_start3A_15, %dma_start3A_16] : memref<2x32x1x10000xi32, #tpu.memory_space<hbm>> -> memref<1x1x1x10000xi32, #tpu.memory_space<hbm>>
    %dma_start3A_18 = tpu.memref_squeeze %dma_start3A_17 : memref<1x1x1x10000xi32, #tpu.memory_space<hbm>> -> memref<10000xi32, #tpu.memory_space<hbm>>
    %dma_start3A_19 = arith.constant 0 : i32
    %dma_start3A_20 = tpu.memref_slice %arg3[%dma_start3A_14, %add3A, %dma_start3A_15, %dma_start3A_19] : memref<2x32x1x10000xi32, #tpu.memory_space<hbm>> -> memref<1x1x1x10000xi32, #tpu.memory_space<hbm>>
    %dma_start3A_21 = tpu.memref_squeeze %dma_start3A_20 : memref<1x1x1x10000xi32, #tpu.memory_space<hbm>> -> memref<10000xi32, #tpu.memory_space<hbm>>
    tpu.enqueue_dma source(%dma_start3A_21 : memref<10000xi32, #tpu.memory_space<hbm>>) target(%arg7 : memref<10000xi32, #tpu.memory_space<vmem>>) target_semaphore(%arg16 : memref<!tpu.dma_semaphore, #tpu.memory_space<semaphore_mem>>)
    %dma_wait3A = arith.constant 0 : i32
    %dma_wait3A_22 = tpu.memref_slice %arg13[%mul3A_2, %dma_wait3A] : memref<10112x128xf32, #tpu.memory_space<vmem_shared>> -> memref<632x128xf32, #tpu.memory_space<vmem_shared>>
    %dma_wait3A_23 = arith.constant 0 : i32
    %dma_wait3A_24 = tpu.memref_slice %arg4[%mul3A_2, %dma_wait3A_23] : memref<10112x128xf32, #tpu.memory_space<hbm>> -> memref<632x128xf32, #tpu.memory_space<hbm>>
    tpu.wait_dma2 semaphore(%arg14 : memref<!tpu.dma_semaphore, #tpu.memory_space<semaphore_mem>>) src(%dma_wait3A_24 : memref<632x128xf32, #tpu.memory_space<hbm>>) dst(%dma_wait3A_22 : memref<632x128xf32, #tpu.memory_space<vmem_shared>>)
    %dma_wait3A_25 = arith.constant 0 : i32
    %dma_wait3A_26 = arith.constant 0 : i32
    %dma_wait3A_27 = arith.constant 0 : i32
    %dma_wait3A_28 = tpu.memref_slice %arg3[%dma_wait3A_25, %add3A, %dma_wait3A_26, %dma_wait3A_27] : memref<2x32x1x10000xi32, #tpu.memory_space<hbm>> -> memref<1x1x1x10000xi32, #tpu.memory_space<hbm>>
    %dma_wait3A_29 = tpu.memref_squeeze %dma_wait3A_28 : memref<1x1x1x10000xi32, #tpu.memory_space<hbm>> -> memref<10000xi32, #tpu.memory_space<hbm>>
    %dma_wait3A_30 = arith.constant 0 : i32
    %dma_wait3A_31 = tpu.memref_slice %arg3[%dma_wait3A_25, %add3A, %dma_wait3A_26, %dma_wait3A_30] : memref<2x32x1x10000xi32, #tpu.memory_space<hbm>> -> memref<1x1x1x10000xi32, #tpu.memory_space<hbm>>
    %dma_wait3A_32 = tpu.memref_squeeze %dma_wait3A_31 : memref<1x1x1x10000xi32, #tpu.memory_space<hbm>> -> memref<10000xi32, #tpu.memory_space<hbm>>
    tpu.wait_dma2 semaphore(%arg15 : memref<!tpu.dma_semaphore, #tpu.memory_space<semaphore_mem>>) src(%dma_wait3A_32 : memref<10000xi32, #tpu.memory_space<hbm>>) dst(%arg6 : memref<10000xi32, #tpu.memory_space<vmem>>)
    %dma_wait3A_33 = arith.constant 1 : i32
    %dma_wait3A_34 = arith.constant 0 : i32
    %dma_wait3A_35 = arith.constant 0 : i32
    %dma_wait3A_36 = tpu.memref_slice %arg3[%dma_wait3A_33, %add3A, %dma_wait3A_34, %dma_wait3A_35] : memref<2x32x1x10000xi32, #tpu.memory_space<hbm>> -> memref<1x1x1x10000xi32, #tpu.memory_space<hbm>>
    %dma_wait3A_37 = tpu.memref_squeeze %dma_wait3A_36 : memref<1x1x1x10000xi32, #tpu.memory_space<hbm>> -> memref<10000xi32, #tpu.memory_space<hbm>>
    %dma_wait3A_38 = arith.constant 0 : i32
    %dma_wait3A_39 = tpu.memref_slice %arg3[%dma_wait3A_33, %add3A, %dma_wait3A_34, %dma_wait3A_38] : memref<2x32x1x10000xi32, #tpu.memory_space<hbm>> -> memref<1x1x1x10000xi32, #tpu.memory_space<hbm>>
    %dma_wait3A_40 = tpu.memref_squeeze %dma_wait3A_39 : memref<1x1x1x10000xi32, #tpu.memory_space<hbm>> -> memref<10000xi32, #tpu.memory_space<hbm>>
    tpu.wait_dma2 semaphore(%arg16 : memref<!tpu.dma_semaphore, #tpu.memory_space<semaphore_mem>>) src(%dma_wait3A_40 : memref<10000xi32, #tpu.memory_space<hbm>>) dst(%arg7 : memref<10000xi32, #tpu.memory_space<vmem>>)
    %barrier3A = arith.constant 0 : index
    tpu.barrier barrier_id(%barrier3A)
    %dma_start3A_41 = arith.constant 0 : i32
    %dma_start3A_42 = tpu.memref_slice %arg6[%dma_start3A_41] : memref<10000xi32, #tpu.memory_space<vmem>> -> memref<40xi32, #tpu.memory_space<vmem>>
    %dma_start3A_43 = arith.constant 0 : i32
    %dma_start3A_44 = arith.constant 0 : i32
    %dma_start3A_45 = tpu.memref_slice %arg2[%dma_start3A_43, %dma_start3A_44] : memref<10000x128xf32, #tpu.memory_space<hbm>> -> memref<10000x128xf32, #tpu.memory_space<hbm>>
    tpu.enqueue_indirect_dma source(%dma_start3A_45 : memref<10000x128xf32, #tpu.memory_space<hbm>>) target(%arg8 : memref<40x128xf32, #tpu.memory_space<vmem>>) offsets(%dma_start3A_42 : memref<40xi32, #tpu.memory_space<vmem>>) semaphore(%arg14 : memref<!tpu.dma_semaphore, #tpu.memory_space<semaphore_mem>>)
    %dma_start3A_46 = arith.constant 40 : i32
    %dma_start3A_47 = tpu.memref_slice %arg6[%dma_start3A_46] : memref<10000xi32, #tpu.memory_space<vmem>> -> memref<40xi32, #tpu.memory_space<vmem>>
    %dma_start3A_48 = arith.constant 0 : i32
    %dma_start3A_49 = arith.constant 0 : i32
    %dma_start3A_50 = tpu.memref_slice %arg2[%dma_start3A_48, %dma_start3A_49] : memref<10000x128xf32, #tpu.memory_space<hbm>> -> memref<10000x128xf32, #tpu.memory_space<hbm>>
    tpu.enqueue_indirect_dma source(%dma_start3A_50 : memref<10000x128xf32, #tpu.memory_space<hbm>>) target(%arg9 : memref<40x128xf32, #tpu.memory_space<vmem>>) offsets(%dma_start3A_47 : memref<40xi32, #tpu.memory_space<vmem>>) semaphore(%arg15 : memref<!tpu.dma_semaphore, #tpu.memory_space<semaphore_mem>>)
    %dma_start3A_51 = arith.constant 80 : i32
    %dma_start3A_52 = tpu.memref_slice %arg6[%dma_start3A_51] : memref<10000xi32, #tpu.memory_space<vmem>> -> memref<40xi32, #tpu.memory_space<vmem>>
    %dma_start3A_53 = arith.constant 0 : i32
    %dma_start3A_54 = arith.constant 0 : i32
    %dma_start3A_55 = tpu.memref_slice %arg2[%dma_start3A_53, %dma_start3A_54] : memref<10000x128xf32, #tpu.memory_space<hbm>> -> memref<10000x128xf32, #tpu.memory_space<hbm>>
    tpu.enqueue_indirect_dma source(%dma_start3A_55 : memref<10000x128xf32, #tpu.memory_space<hbm>>) target(%arg10 : memref<40x128xf32, #tpu.memory_space<vmem>>) offsets(%dma_start3A_52 : memref<40xi32, #tpu.memory_space<vmem>>) semaphore(%arg16 : memref<!tpu.dma_semaphore, #tpu.memory_space<semaphore_mem>>)
    %dma_start3A_56 = arith.constant 120 : i32
    %dma_start3A_57 = tpu.memref_slice %arg6[%dma_start3A_56] : memref<10000xi32, #tpu.memory_space<vmem>> -> memref<40xi32, #tpu.memory_space<vmem>>
    %dma_start3A_58 = arith.constant 0 : i32
    %dma_start3A_59 = arith.constant 0 : i32
    %dma_start3A_60 = tpu.memref_slice %arg2[%dma_start3A_58, %dma_start3A_59] : memref<10000x128xf32, #tpu.memory_space<hbm>> -> memref<10000x128xf32, #tpu.memory_space<hbm>>
    tpu.enqueue_indirect_dma source(%dma_start3A_60 : memref<10000x128xf32, #tpu.memory_space<hbm>>) target(%arg11 : memref<40x128xf32, #tpu.memory_space<vmem>>) offsets(%dma_start3A_57 : memref<40xi32, #tpu.memory_space<vmem>>) semaphore(%arg17 : memref<!tpu.dma_semaphore, #tpu.memory_space<semaphore_mem>>)
    %scan3A = arith.constant 0 : i32
    %scan3A_61 = arith.constant 50 : i32
    %scan3A_62 = arith.addi %scan3A, %scan3A_61 : i32
    %scan3A_63 = arith.constant 1 : i32
    scf.for %scan3A_91 = %scan3A to %scan3A_62 step %scan3A_63  : i32 {
      %mul3A_92 = arith.constant 1 : i32
      %mul3A_93 = arith.muli %scan3A_91, %mul3A_92 : i32
      %add3A_94 = arith.constant 0 : i32
      %add3A_95 = arith.addi %add3A_94, %mul3A_93 : i32
      %mul3A_96 = arith.constant 5 : i32
      %mul3A_97 = arith.muli %add3A_95, %mul3A_96 : i32
      %add3A_98 = arith.constant 0 : i32
      %add3A_99 = arith.addi %mul3A_97, %add3A_98 : i32
      %dma_wait3A_100 = arith.constant 0 : i32
      %dma_wait3A_101 = tpu.memref_slice %arg6[%dma_wait3A_100] : memref<10000xi32, #tpu.memory_space<vmem>> -> memref<40xi32, #tpu.memory_space<vmem>>
      %dma_wait3A_102 = arith.constant 0 : i32
      %dma_wait3A_103 = arith.constant 0 : i32
      %dma_wait3A_104 = tpu.memref_slice %arg2[%dma_wait3A_102, %dma_wait3A_103] : memref<10000x128xf32, #tpu.memory_space<hbm>> -> memref<10000x128xf32, #tpu.memory_space<hbm>>
      tpu.wait_indirect_dma semaphore(%arg14 : memref<!tpu.dma_semaphore, #tpu.memory_space<semaphore_mem>>) src(%dma_wait3A_104 : memref<10000x128xf32, #tpu.memory_space<hbm>>) dst(%arg8 : memref<40x128xf32, #tpu.memory_space<vmem>>)
      %mul3A_105 = arith.constant 40 : i32
      %mul3A_106 = arith.muli %add3A_99, %mul3A_105 : i32
      %dma_start3A_107 = tpu.memref_slice %arg7[%mul3A_106] : memref<10000xi32, #tpu.memory_space<vmem>> -> memref<40xi32, #tpu.memory_space<vmem>>
      %dma_start3A_108 = arith.constant 0 : i32
      %dma_start3A_109 = arith.constant 0 : i32
      %dma_start3A_110 = tpu.memref_slice %arg13[%dma_start3A_108, %dma_start3A_109] : memref<10112x128xf32, #tpu.memory_space<vmem_shared>> -> memref<10112x128xf32, #tpu.memory_space<vmem_shared>>
      tpu.enqueue_indirect_dma source(%arg8 : memref<40x128xf32, #tpu.memory_space<vmem>>) target(%dma_start3A_110 : memref<10112x128xf32, #tpu.memory_space<vmem_shared>>) offsets(%dma_start3A_107 : memref<40xi32, #tpu.memory_space<vmem>>) semaphore(%arg14 : memref<!tpu.dma_semaphore, #tpu.memory_space<semaphore_mem>>) {add = true}
      %add3A_111 = arith.constant 4 : i32
      %add3A_112 = arith.addi %add3A_99, %add3A_111 : i32
      %lt3A = arith.constant 250 : i32
      %lt3A_113 = arith.cmpi slt, %add3A_112, %lt3A : i32
      %convert_element_type3A = arith.extui %lt3A_113 : i1 to i32
      %cond3A = arith.constant 0 : i32
      %cond3A_114 = arith.cmpi ne, %convert_element_type3A, %cond3A : i32
      scf.if %cond3A_114 {
        %ge3A = arith.constant 1 : i32
        %ge3A_203 = arith.cmpi sge, %add3A_99, %ge3A : i32
        %convert_element_type3A_204 = arith.extui %ge3A_203 : i1 to i32
        %cond3A_205 = arith.constant 0 : i32
        %cond3A_206 = arith.cmpi ne, %convert_element_type3A_204, %cond3A_205 : i32
        scf.if %cond3A_206 {
          %dma_wait3A_213 = arith.constant 0 : i32
          %dma_wait3A_214 = tpu.memref_slice %arg6[%dma_wait3A_213] : memref<10000xi32, #tpu.memory_space<vmem>> -> memref<40xi32, #tpu.memory_space<vmem>>
          %dma_wait3A_215 = arith.constant 0 : i32
          %dma_wait3A_216 = arith.constant 0 : i32
          %dma_wait3A_217 = tpu.memref_slice %arg2[%dma_wait3A_215, %dma_wait3A_216] : memref<10000x128xf32, #tpu.memory_space<hbm>> -> memref<10000x128xf32, #tpu.memory_space<hbm>>
          tpu.wait_indirect_dma semaphore(%arg18 : memref<!tpu.dma_semaphore, #tpu.memory_space<semaphore_mem>>) src(%dma_wait3A_217 : memref<10000x128xf32, #tpu.memory_space<hbm>>) dst(%arg12 : memref<40x128xf32, #tpu.memory_space<vmem>>)
        } else {
        }
        %mul3A_207 = arith.constant 40 : i32
        %mul3A_208 = arith.muli %add3A_112, %mul3A_207 : i32
        %dma_start3A_209 = tpu.memref_slice %arg6[%mul3A_208] : memref<10000xi32, #tpu.memory_space<vmem>> -> memref<40xi32, #tpu.memory_space<vmem>>
        %dma_start3A_210 = arith.constant 0 : i32
        %dma_start3A_211 = arith.constant 0 : i32
        %dma_start3A_212 = tpu.memref_slice %arg2[%dma_start3A_210, %dma_start3A_211] : memref<10000x128xf32, #tpu.memory_space<hbm>> -> memref<10000x128xf32, #tpu.memory_space<hbm>>
        tpu.enqueue_indirect_dma source(%dma_start3A_212 : memref<10000x128xf32, #tpu.memory_space<hbm>>) target(%arg12 : memref<40x128xf32, #tpu.memory_space<vmem>>) offsets(%dma_start3A_209 : memref<40xi32, #tpu.memory_space<vmem>>) semaphore(%arg18 : memref<!tpu.dma_semaphore, #tpu.memory_space<semaphore_mem>>)
      } else {
      }
      %mul3A_115 = arith.constant 5 : i32
      %mul3A_116 = arith.muli %add3A_95, %mul3A_115 : i32
      %add3A_117 = arith.constant 1 : i32
      %add3A_118 = arith.addi %mul3A_116, %add3A_117 : i32
      %dma_wait3A_119 = arith.constant 0 : i32
      %dma_wait3A_120 = tpu.memref_slice %arg6[%dma_wait3A_119] : memref<10000xi32, #tpu.memory_space<vmem>> -> memref<40xi32, #tpu.memory_space<vmem>>
      %dma_wait3A_121 = arith.constant 0 : i32
      %dma_wait3A_122 = arith.constant 0 : i32
      %dma_wait3A_123 = tpu.memref_slice %arg2[%dma_wait3A_121, %dma_wait3A_122] : memref<10000x128xf32, #tpu.memory_space<hbm>> -> memref<10000x128xf32, #tpu.memory_space<hbm>>
      tpu.wait_indirect_dma semaphore(%arg15 : memref<!tpu.dma_semaphore, #tpu.memory_space<semaphore_mem>>) src(%dma_wait3A_123 : memref<10000x128xf32, #tpu.memory_space<hbm>>) dst(%arg9 : memref<40x128xf32, #tpu.memory_space<vmem>>)
      %mul3A_124 = arith.constant 40 : i32
      %mul3A_125 = arith.muli %add3A_118, %mul3A_124 : i32
      %dma_start3A_126 = tpu.memref_slice %arg7[%mul3A_125] : memref<10000xi32, #tpu.memory_space<vmem>> -> memref<40xi32, #tpu.memory_space<vmem>>
      %dma_start3A_127 = arith.constant 0 : i32
      %dma_start3A_128 = arith.constant 0 : i32
      %dma_start3A_129 = tpu.memref_slice %arg13[%dma_start3A_127, %dma_start3A_128] : memref<10112x128xf32, #tpu.memory_space<vmem_shared>> -> memref<10112x128xf32, #tpu.memory_space<vmem_shared>>
      tpu.enqueue_indirect_dma source(%arg9 : memref<40x128xf32, #tpu.memory_space<vmem>>) target(%dma_start3A_129 : memref<10112x128xf32, #tpu.memory_space<vmem_shared>>) offsets(%dma_start3A_126 : memref<40xi32, #tpu.memory_space<vmem>>) semaphore(%arg15 : memref<!tpu.dma_semaphore, #tpu.memory_space<semaphore_mem>>) {add = true}
      %add3A_130 = arith.constant 4 : i32
      %add3A_131 = arith.addi %add3A_118, %add3A_130 : i32
      %lt3A_132 = arith.constant 250 : i32
      %lt3A_133 = arith.cmpi slt, %add3A_131, %lt3A_132 : i32
      %convert_element_type3A_134 = arith.extui %lt3A_133 : i1 to i32
      %cond3A_135 = arith.constant 0 : i32
      %cond3A_136 = arith.cmpi ne, %convert_element_type3A_134, %cond3A_135 : i32
      scf.if %cond3A_136 {
        %ge3A = arith.constant 1 : i32
        %ge3A_203 = arith.cmpi sge, %add3A_118, %ge3A : i32
        %convert_element_type3A_204 = arith.extui %ge3A_203 : i1 to i32
        %cond3A_205 = arith.constant 0 : i32
        %cond3A_206 = arith.cmpi ne, %convert_element_type3A_204, %cond3A_205 : i32
        scf.if %cond3A_206 {
          %dma_wait3A_213 = arith.constant 0 : i32
          %dma_wait3A_214 = tpu.memref_slice %arg6[%dma_wait3A_213] : memref<10000xi32, #tpu.memory_space<vmem>> -> memref<40xi32, #tpu.memory_space<vmem>>
          %dma_wait3A_215 = arith.constant 0 : i32
          %dma_wait3A_216 = arith.constant 0 : i32
          %dma_wait3A_217 = tpu.memref_slice %arg2[%dma_wait3A_215, %dma_wait3A_216] : memref<10000x128xf32, #tpu.memory_space<hbm>> -> memref<10000x128xf32, #tpu.memory_space<hbm>>
          tpu.wait_indirect_dma semaphore(%arg14 : memref<!tpu.dma_semaphore, #tpu.memory_space<semaphore_mem>>) src(%dma_wait3A_217 : memref<10000x128xf32, #tpu.memory_space<hbm>>) dst(%arg8 : memref<40x128xf32, #tpu.memory_space<vmem>>)
        } else {
        }
        %mul3A_207 = arith.constant 40 : i32
        %mul3A_208 = arith.muli %add3A_131, %mul3A_207 : i32
        %dma_start3A_209 = tpu.memref_slice %arg6[%mul3A_208] : memref<10000xi32, #tpu.memory_space<vmem>> -> memref<40xi32, #tpu.memory_space<vmem>>
        %dma_start3A_210 = arith.constant 0 : i32
        %dma_start3A_211 = arith.constant 0 : i32
        %dma_start3A_212 = tpu.memref_slice %arg2[%dma_start3A_210, %dma_start3A_211] : memref<10000x128xf32, #tpu.memory_space<hbm>> -> memref<10000x128xf32, #tpu.memory_space<hbm>>
        tpu.enqueue_indirect_dma source(%dma_start3A_212 : memref<10000x128xf32, #tpu.memory_space<hbm>>) target(%arg8 : memref<40x128xf32, #tpu.memory_space<vmem>>) offsets(%dma_start3A_209 : memref<40xi32, #tpu.memory_space<vmem>>) semaphore(%arg14 : memref<!tpu.dma_semaphore, #tpu.memory_space<semaphore_mem>>)
      } else {
      }
      %mul3A_137 = arith.constant 5 : i32
      %mul3A_138 = arith.muli %add3A_95, %mul3A_137 : i32
      %add3A_139 = arith.constant 2 : i32
      %add3A_140 = arith.addi %mul3A_138, %add3A_139 : i32
      %dma_wait3A_141 = arith.constant 0 : i32
      %dma_wait3A_142 = tpu.memref_slice %arg6[%dma_wait3A_141] : memref<10000xi32, #tpu.memory_space<vmem>> -> memref<40xi32, #tpu.memory_space<vmem>>
      %dma_wait3A_143 = arith.constant 0 : i32
      %dma_wait3A_144 = arith.constant 0 : i32
      %dma_wait3A_145 = tpu.memref_slice %arg2[%dma_wait3A_143, %dma_wait3A_144] : memref<10000x128xf32, #tpu.memory_space<hbm>> -> memref<10000x128xf32, #tpu.memory_space<hbm>>
      tpu.wait_indirect_dma semaphore(%arg16 : memref<!tpu.dma_semaphore, #tpu.memory_space<semaphore_mem>>) src(%dma_wait3A_145 : memref<10000x128xf32, #tpu.memory_space<hbm>>) dst(%arg10 : memref<40x128xf32, #tpu.memory_space<vmem>>)
      %mul3A_146 = arith.constant 40 : i32
      %mul3A_147 = arith.muli %add3A_140, %mul3A_146 : i32
      %dma_start3A_148 = tpu.memref_slice %arg7[%mul3A_147] : memref<10000xi32, #tpu.memory_space<vmem>> -> memref<40xi32, #tpu.memory_space<vmem>>
      %dma_start3A_149 = arith.constant 0 : i32
      %dma_start3A_150 = arith.constant 0 : i32
      %dma_start3A_151 = tpu.memref_slice %arg13[%dma_start3A_149, %dma_start3A_150] : memref<10112x128xf32, #tpu.memory_space<vmem_shared>> -> memref<10112x128xf32, #tpu.memory_space<vmem_shared>>
      tpu.enqueue_indirect_dma source(%arg10 : memref<40x128xf32, #tpu.memory_space<vmem>>) target(%dma_start3A_151 : memref<10112x128xf32, #tpu.memory_space<vmem_shared>>) offsets(%dma_start3A_148 : memref<40xi32, #tpu.memory_space<vmem>>) semaphore(%arg16 : memref<!tpu.dma_semaphore, #tpu.memory_space<semaphore_mem>>) {add = true}
      %add3A_152 = arith.constant 4 : i32
      %add3A_153 = arith.addi %add3A_140, %add3A_152 : i32
      %lt3A_154 = arith.constant 250 : i32
      %lt3A_155 = arith.cmpi slt, %add3A_153, %lt3A_154 : i32
      %convert_element_type3A_156 = arith.extui %lt3A_155 : i1 to i32
      %cond3A_157 = arith.constant 0 : i32
      %cond3A_158 = arith.cmpi ne, %convert_element_type3A_156, %cond3A_157 : i32
      scf.if %cond3A_158 {
        %ge3A = arith.constant 1 : i32
        %ge3A_203 = arith.cmpi sge, %add3A_140, %ge3A : i32
        %convert_element_type3A_204 = arith.extui %ge3A_203 : i1 to i32
        %cond3A_205 = arith.constant 0 : i32
        %cond3A_206 = arith.cmpi ne, %convert_element_type3A_204, %cond3A_205 : i32
        scf.if %cond3A_206 {
          %dma_wait3A_213 = arith.constant 0 : i32
          %dma_wait3A_214 = tpu.memref_slice %arg6[%dma_wait3A_213] : memref<10000xi32, #tpu.memory_space<vmem>> -> memref<40xi32, #tpu.memory_space<vmem>>
          %dma_wait3A_215 = arith.constant 0 : i32
          %dma_wait3A_216 = arith.constant 0 : i32
          %dma_wait3A_217 = tpu.memref_slice %arg2[%dma_wait3A_215, %dma_wait3A_216] : memref<10000x128xf32, #tpu.memory_space<hbm>> -> memref<10000x128xf32, #tpu.memory_space<hbm>>
          tpu.wait_indirect_dma semaphore(%arg15 : memref<!tpu.dma_semaphore, #tpu.memory_space<semaphore_mem>>) src(%dma_wait3A_217 : memref<10000x128xf32, #tpu.memory_space<hbm>>) dst(%arg9 : memref<40x128xf32, #tpu.memory_space<vmem>>)
        } else {
        }
        %mul3A_207 = arith.constant 40 : i32
        %mul3A_208 = arith.muli %add3A_153, %mul3A_207 : i32
        %dma_start3A_209 = tpu.memref_slice %arg6[%mul3A_208] : memref<10000xi32, #tpu.memory_space<vmem>> -> memref<40xi32, #tpu.memory_space<vmem>>
        %dma_start3A_210 = arith.constant 0 : i32
        %dma_start3A_211 = arith.constant 0 : i32
        %dma_start3A_212 = tpu.memref_slice %arg2[%dma_start3A_210, %dma_start3A_211] : memref<10000x128xf32, #tpu.memory_space<hbm>> -> memref<10000x128xf32, #tpu.memory_space<hbm>>
        tpu.enqueue_indirect_dma source(%dma_start3A_212 : memref<10000x128xf32, #tpu.memory_space<hbm>>) target(%arg9 : memref<40x128xf32, #tpu.memory_space<vmem>>) offsets(%dma_start3A_209 : memref<40xi32, #tpu.memory_space<vmem>>) semaphore(%arg15 : memref<!tpu.dma_semaphore, #tpu.memory_space<semaphore_mem>>)
      } else {
      }
      %mul3A_159 = arith.constant 5 : i32
      %mul3A_160 = arith.muli %add3A_95, %mul3A_159 : i32
      %add3A_161 = arith.constant 3 : i32
      %add3A_162 = arith.addi %mul3A_160, %add3A_161 : i32
      %dma_wait3A_163 = arith.constant 0 : i32
      %dma_wait3A_164 = tpu.memref_slice %arg6[%dma_wait3A_163] : memref<10000xi32, #tpu.memory_space<vmem>> -> memref<40xi32, #tpu.memory_space<vmem>>
      %dma_wait3A_165 = arith.constant 0 : i32
      %dma_wait3A_166 = arith.constant 0 : i32
      %dma_wait3A_167 = tpu.memref_slice %arg2[%dma_wait3A_165, %dma_wait3A_166] : memref<10000x128xf32, #tpu.memory_space<hbm>> -> memref<10000x128xf32, #tpu.memory_space<hbm>>
      tpu.wait_indirect_dma semaphore(%arg17 : memref<!tpu.dma_semaphore, #tpu.memory_space<semaphore_mem>>) src(%dma_wait3A_167 : memref<10000x128xf32, #tpu.memory_space<hbm>>) dst(%arg11 : memref<40x128xf32, #tpu.memory_space<vmem>>)
      %mul3A_168 = arith.constant 40 : i32
      %mul3A_169 = arith.muli %add3A_162, %mul3A_168 : i32
      %dma_start3A_170 = tpu.memref_slice %arg7[%mul3A_169] : memref<10000xi32, #tpu.memory_space<vmem>> -> memref<40xi32, #tpu.memory_space<vmem>>
      %dma_start3A_171 = arith.constant 0 : i32
      %dma_start3A_172 = arith.constant 0 : i32
      %dma_start3A_173 = tpu.memref_slice %arg13[%dma_start3A_171, %dma_start3A_172] : memref<10112x128xf32, #tpu.memory_space<vmem_shared>> -> memref<10112x128xf32, #tpu.memory_space<vmem_shared>>
      tpu.enqueue_indirect_dma source(%arg11 : memref<40x128xf32, #tpu.memory_space<vmem>>) target(%dma_start3A_173 : memref<10112x128xf32, #tpu.memory_space<vmem_shared>>) offsets(%dma_start3A_170 : memref<40xi32, #tpu.memory_space<vmem>>) semaphore(%arg17 : memref<!tpu.dma_semaphore, #tpu.memory_space<semaphore_mem>>) {add = true}
      %add3A_174 = arith.constant 4 : i32
      %add3A_175 = arith.addi %add3A_162, %add3A_174 : i32
      %lt3A_176 = arith.constant 250 : i32
      %lt3A_177 = arith.cmpi slt, %add3A_175, %lt3A_176 : i32
      %convert_element_type3A_178 = arith.extui %lt3A_177 : i1 to i32
      %cond3A_179 = arith.constant 0 : i32
      %cond3A_180 = arith.cmpi ne, %convert_element_type3A_178, %cond3A_179 : i32
      scf.if %cond3A_180 {
        %ge3A = arith.constant 1 : i32
        %ge3A_203 = arith.cmpi sge, %add3A_162, %ge3A : i32
        %convert_element_type3A_204 = arith.extui %ge3A_203 : i1 to i32
        %cond3A_205 = arith.constant 0 : i32
        %cond3A_206 = arith.cmpi ne, %convert_element_type3A_204, %cond3A_205 : i32
        scf.if %cond3A_206 {
          %dma_wait3A_213 = arith.constant 0 : i32
          %dma_wait3A_214 = tpu.memref_slice %arg6[%dma_wait3A_213] : memref<10000xi32, #tpu.memory_space<vmem>> -> memref<40xi32, #tpu.memory_space<vmem>>
          %dma_wait3A_215 = arith.constant 0 : i32
          %dma_wait3A_216 = arith.constant 0 : i32
          %dma_wait3A_217 = tpu.memref_slice %arg2[%dma_wait3A_215, %dma_wait3A_216] : memref<10000x128xf32, #tpu.memory_space<hbm>> -> memref<10000x128xf32, #tpu.memory_space<hbm>>
          tpu.wait_indirect_dma semaphore(%arg16 : memref<!tpu.dma_semaphore, #tpu.memory_space<semaphore_mem>>) src(%dma_wait3A_217 : memref<10000x128xf32, #tpu.memory_space<hbm>>) dst(%arg10 : memref<40x128xf32, #tpu.memory_space<vmem>>)
        } else {
        }
        %mul3A_207 = arith.constant 40 : i32
        %mul3A_208 = arith.muli %add3A_175, %mul3A_207 : i32
        %dma_start3A_209 = tpu.memref_slice %arg6[%mul3A_208] : memref<10000xi32, #tpu.memory_space<vmem>> -> memref<40xi32, #tpu.memory_space<vmem>>
        %dma_start3A_210 = arith.constant 0 : i32
        %dma_start3A_211 = arith.constant 0 : i32
        %dma_start3A_212 = tpu.memref_slice %arg2[%dma_start3A_210, %dma_start3A_211] : memref<10000x128xf32, #tpu.memory_space<hbm>> -> memref<10000x128xf32, #tpu.memory_space<hbm>>
        tpu.enqueue_indirect_dma source(%dma_start3A_212 : memref<10000x128xf32, #tpu.memory_space<hbm>>) target(%arg10 : memref<40x128xf32, #tpu.memory_space<vmem>>) offsets(%dma_start3A_209 : memref<40xi32, #tpu.memory_space<vmem>>) semaphore(%arg16 : memref<!tpu.dma_semaphore, #tpu.memory_space<semaphore_mem>>)
      } else {
      }
      %mul3A_181 = arith.constant 5 : i32
      %mul3A_182 = arith.muli %add3A_95, %mul3A_181 : i32
      %add3A_183 = arith.constant 4 : i32
      %add3A_184 = arith.addi %mul3A_182, %add3A_183 : i32
      %dma_wait3A_185 = arith.constant 0 : i32
      %dma_wait3A_186 = tpu.memref_slice %arg6[%dma_wait3A_185] : memref<10000xi32, #tpu.memory_space<vmem>> -> memref<40xi32, #tpu.memory_space<vmem>>
      %dma_wait3A_187 = arith.constant 0 : i32
      %dma_wait3A_188 = arith.constant 0 : i32
      %dma_wait3A_189 = tpu.memref_slice %arg2[%dma_wait3A_187, %dma_wait3A_188] : memref<10000x128xf32, #tpu.memory_space<hbm>> -> memref<10000x128xf32, #tpu.memory_space<hbm>>
      tpu.wait_indirect_dma semaphore(%arg18 : memref<!tpu.dma_semaphore, #tpu.memory_space<semaphore_mem>>) src(%dma_wait3A_189 : memref<10000x128xf32, #tpu.memory_space<hbm>>) dst(%arg12 : memref<40x128xf32, #tpu.memory_space<vmem>>)
      %mul3A_190 = arith.constant 40 : i32
      %mul3A_191 = arith.muli %add3A_184, %mul3A_190 : i32
      %dma_start3A_192 = tpu.memref_slice %arg7[%mul3A_191] : memref<10000xi32, #tpu.memory_space<vmem>> -> memref<40xi32, #tpu.memory_space<vmem>>
      %dma_start3A_193 = arith.constant 0 : i32
      %dma_start3A_194 = arith.constant 0 : i32
      %dma_start3A_195 = tpu.memref_slice %arg13[%dma_start3A_193, %dma_start3A_194] : memref<10112x128xf32, #tpu.memory_space<vmem_shared>> -> memref<10112x128xf32, #tpu.memory_space<vmem_shared>>
      tpu.enqueue_indirect_dma source(%arg12 : memref<40x128xf32, #tpu.memory_space<vmem>>) target(%dma_start3A_195 : memref<10112x128xf32, #tpu.memory_space<vmem_shared>>) offsets(%dma_start3A_192 : memref<40xi32, #tpu.memory_space<vmem>>) semaphore(%arg18 : memref<!tpu.dma_semaphore, #tpu.memory_space<semaphore_mem>>) {add = true}
      %add3A_196 = arith.constant 4 : i32
      %add3A_197 = arith.addi %add3A_184, %add3A_196 : i32
      %lt3A_198 = arith.constant 250 : i32
      %lt3A_199 = arith.cmpi slt, %add3A_197, %lt3A_198 : i32
      %convert_element_type3A_200 = arith.extui %lt3A_199 : i1 to i32
      %cond3A_201 = arith.constant 0 : i32
      %cond3A_202 = arith.cmpi ne, %convert_element_type3A_200, %cond3A_201 : i32
      scf.if %cond3A_202 {
        %ge3A = arith.constant 1 : i32
        %ge3A_203 = arith.cmpi sge, %add3A_184, %ge3A : i32
        %convert_element_type3A_204 = arith.extui %ge3A_203 : i1 to i32
        %cond3A_205 = arith.constant 0 : i32
        %cond3A_206 = arith.cmpi ne, %convert_element_type3A_204, %cond3A_205 : i32
        scf.if %cond3A_206 {
          %dma_wait3A_213 = arith.constant 0 : i32
          %dma_wait3A_214 = tpu.memref_slice %arg6[%dma_wait3A_213] : memref<10000xi32, #tpu.memory_space<vmem>> -> memref<40xi32, #tpu.memory_space<vmem>>
          %dma_wait3A_215 = arith.constant 0 : i32
          %dma_wait3A_216 = arith.constant 0 : i32
          %dma_wait3A_217 = tpu.memref_slice %arg2[%dma_wait3A_215, %dma_wait3A_216] : memref<10000x128xf32, #tpu.memory_space<hbm>> -> memref<10000x128xf32, #tpu.memory_space<hbm>>
          tpu.wait_indirect_dma semaphore(%arg17 : memref<!tpu.dma_semaphore, #tpu.memory_space<semaphore_mem>>) src(%dma_wait3A_217 : memref<10000x128xf32, #tpu.memory_space<hbm>>) dst(%arg11 : memref<40x128xf32, #tpu.memory_space<vmem>>)
        } else {
        }
        %mul3A_207 = arith.constant 40 : i32
        %mul3A_208 = arith.muli %add3A_197, %mul3A_207 : i32
        %dma_start3A_209 = tpu.memref_slice %arg6[%mul3A_208] : memref<10000xi32, #tpu.memory_space<vmem>> -> memref<40xi32, #tpu.memory_space<vmem>>
        %dma_start3A_210 = arith.constant 0 : i32
        %dma_start3A_211 = arith.constant 0 : i32
        %dma_start3A_212 = tpu.memref_slice %arg2[%dma_start3A_210, %dma_start3A_211] : memref<10000x128xf32, #tpu.memory_space<hbm>> -> memref<10000x128xf32, #tpu.memory_space<hbm>>
        tpu.enqueue_indirect_dma source(%dma_start3A_212 : memref<10000x128xf32, #tpu.memory_space<hbm>>) target(%arg11 : memref<40x128xf32, #tpu.memory_space<vmem>>) offsets(%dma_start3A_209 : memref<40xi32, #tpu.memory_space<vmem>>) semaphore(%arg17 : memref<!tpu.dma_semaphore, #tpu.memory_space<semaphore_mem>>)
      } else {
      }
    }
    %scan3A_64 = arith.constant 50 : i32
    %dma_wait3A_65 = arith.constant 0 : i32
    %dma_wait3A_66 = tpu.memref_slice %arg6[%dma_wait3A_65] : memref<10000xi32, #tpu.memory_space<vmem>> -> memref<40xi32, #tpu.memory_space<vmem>>
    %dma_wait3A_67 = arith.constant 0 : i32
    %dma_wait3A_68 = arith.constant 0 : i32
    %dma_wait3A_69 = tpu.memref_slice %arg2[%dma_wait3A_67, %dma_wait3A_68] : memref<10000x128xf32, #tpu.memory_space<hbm>> -> memref<10000x128xf32, #tpu.memory_space<hbm>>
    tpu.wait_indirect_dma semaphore(%arg14 : memref<!tpu.dma_semaphore, #tpu.memory_space<semaphore_mem>>) src(%dma_wait3A_69 : memref<10000x128xf32, #tpu.memory_space<hbm>>) dst(%arg8 : memref<40x128xf32, #tpu.memory_space<vmem>>)
    %dma_wait3A_70 = arith.constant 0 : i32
    %dma_wait3A_71 = tpu.memref_slice %arg6[%dma_wait3A_70] : memref<10000xi32, #tpu.memory_space<vmem>> -> memref<40xi32, #tpu.memory_space<vmem>>
    %dma_wait3A_72 = arith.constant 0 : i32
    %dma_wait3A_73 = arith.constant 0 : i32
    %dma_wait3A_74 = tpu.memref_slice %arg2[%dma_wait3A_72, %dma_wait3A_73] : memref<10000x128xf32, #tpu.memory_space<hbm>> -> memref<10000x128xf32, #tpu.memory_space<hbm>>
    tpu.wait_indirect_dma semaphore(%arg15 : memref<!tpu.dma_semaphore, #tpu.memory_space<semaphore_mem>>) src(%dma_wait3A_74 : memref<10000x128xf32, #tpu.memory_space<hbm>>) dst(%arg9 : memref<40x128xf32, #tpu.memory_space<vmem>>)
    %dma_wait3A_75 = arith.constant 0 : i32
    %dma_wait3A_76 = tpu.memref_slice %arg6[%dma_wait3A_75] : memref<10000xi32, #tpu.memory_space<vmem>> -> memref<40xi32, #tpu.memory_space<vmem>>
    %dma_wait3A_77 = arith.constant 0 : i32
    %dma_wait3A_78 = arith.constant 0 : i32
    %dma_wait3A_79 = tpu.memref_slice %arg2[%dma_wait3A_77, %dma_wait3A_78] : memref<10000x128xf32, #tpu.memory_space<hbm>> -> memref<10000x128xf32, #tpu.memory_space<hbm>>
    tpu.wait_indirect_dma semaphore(%arg16 : memref<!tpu.dma_semaphore, #tpu.memory_space<semaphore_mem>>) src(%dma_wait3A_79 : memref<10000x128xf32, #tpu.memory_space<hbm>>) dst(%arg10 : memref<40x128xf32, #tpu.memory_space<vmem>>)
    %dma_wait3A_80 = arith.constant 0 : i32
    %dma_wait3A_81 = tpu.memref_slice %arg6[%dma_wait3A_80] : memref<10000xi32, #tpu.memory_space<vmem>> -> memref<40xi32, #tpu.memory_space<vmem>>
    %dma_wait3A_82 = arith.constant 0 : i32
    %dma_wait3A_83 = arith.constant 0 : i32
    %dma_wait3A_84 = tpu.memref_slice %arg2[%dma_wait3A_82, %dma_wait3A_83] : memref<10000x128xf32, #tpu.memory_space<hbm>> -> memref<10000x128xf32, #tpu.memory_space<hbm>>
    tpu.wait_indirect_dma semaphore(%arg17 : memref<!tpu.dma_semaphore, #tpu.memory_space<semaphore_mem>>) src(%dma_wait3A_84 : memref<10000x128xf32, #tpu.memory_space<hbm>>) dst(%arg11 : memref<40x128xf32, #tpu.memory_space<vmem>>)
    %dma_wait3A_85 = arith.constant 0 : i32
    %dma_wait3A_86 = tpu.memref_slice %arg6[%dma_wait3A_85] : memref<10000xi32, #tpu.memory_space<vmem>> -> memref<40xi32, #tpu.memory_space<vmem>>
    %dma_wait3A_87 = arith.constant 0 : i32
    %dma_wait3A_88 = arith.constant 0 : i32
    %dma_wait3A_89 = tpu.memref_slice %arg2[%dma_wait3A_87, %dma_wait3A_88] : memref<10000x128xf32, #tpu.memory_space<hbm>> -> memref<10000x128xf32, #tpu.memory_space<hbm>>
    tpu.wait_indirect_dma semaphore(%arg18 : memref<!tpu.dma_semaphore, #tpu.memory_space<semaphore_mem>>) src(%dma_wait3A_89 : memref<10000x128xf32, #tpu.memory_space<hbm>>) dst(%arg12 : memref<40x128xf32, #tpu.memory_space<vmem>>)
    %barrier3A_90 = arith.constant 0 : index
    tpu.barrier barrier_id(%barrier3A_90)
    "tpu.region"() ({
      %run_scoped3A = tpu.sem_alloc : memref<!tpu.dma_semaphore, #tpu.memory_space<semaphore_mem>>
      %dma_start3A_91 = arith.constant 0 : i32
      %dma_start3A_92 = tpu.memref_slice %arg5[%arg0, %mul3A_2, %dma_start3A_91] : memref<2x10112x128xf32, #tpu.memory_space<hbm>> -> memref<1x632x128xf32, #tpu.memory_space<hbm>>
      %dma_start3A_93 = tpu.memref_squeeze %dma_start3A_92 : memref<1x632x128xf32, #tpu.memory_space<hbm>> -> memref<632x128xf32, #tpu.memory_space<hbm>>
      %dma_start3A_94 = arith.constant 0 : i32
      %dma_start3A_95 = tpu.memref_slice %arg13[%mul3A_2, %dma_start3A_94] : memref<10112x128xf32, #tpu.memory_space<vmem_shared>> -> memref<632x128xf32, #tpu.memory_space<vmem_shared>>
      tpu.enqueue_dma source(%dma_start3A_95 : memref<632x128xf32, #tpu.memory_space<vmem_shared>>) target(%dma_start3A_93 : memref<632x128xf32, #tpu.memory_space<hbm>>) target_semaphore(%run_scoped3A : memref<!tpu.dma_semaphore, #tpu.memory_space<semaphore_mem>>)
      %dma_wait3A_96 = arith.constant 0 : i32
      %dma_wait3A_97 = tpu.memref_slice %arg5[%arg0, %mul3A_2, %dma_wait3A_96] : memref<2x10112x128xf32, #tpu.memory_space<hbm>> -> memref<1x632x128xf32, #tpu.memory_space<hbm>>
      %dma_wait3A_98 = tpu.memref_squeeze %dma_wait3A_97 : memref<1x632x128xf32, #tpu.memory_space<hbm>> -> memref<632x128xf32, #tpu.memory_space<hbm>>
      %dma_wait3A_99 = arith.constant 0 : i32
      %dma_wait3A_100 = tpu.memref_slice %arg13[%mul3A_2, %dma_wait3A_99] : memref<10112x128xf32, #tpu.memory_space<vmem_shared>> -> memref<632x128xf32, #tpu.memory_space<vmem_shared>>
      tpu.wait_dma2 semaphore(%run_scoped3A : memref<!tpu.dma_semaphore, #tpu.memory_space<semaphore_mem>>) src(%dma_wait3A_100 : memref<632x128xf32, #tpu.memory_space<vmem_shared>>) dst(%dma_wait3A_98 : memref<632x128xf32, #tpu.memory_space<hbm>>)
      tpu.yield
    }) : () -> ()
    return
  }
}

#map = affine_map<(d0, d1) -> (0, 0)>
#map1 = affine_map<(d0, d1) -> (0, 0, 0, 0)>
#map2 = affine_map<(d0, d1) -> (0, 0, 0)>
module attributes {stable_mosaic.version = 14 : i64} {
  func.func @body(%arg0: i32, %arg1: i32, %arg2: memref<10000x128xf32, #tpu.memory_space<hbm>>, %arg3: memref<2x32x1x10000xi32, #tpu.memory_space<hbm>>, %arg4: memref<10112x128xf32, #tpu.memory_space<hbm>>, %arg5: memref<2x10112x128xf32, #tpu.memory_space<hbm>>, %arg6: memref<10000xi32, #tpu.memory_space<vmem>>, %arg7: memref<10000xi32, #tpu.memory_space<vmem>>, %arg8: memref<40x128xf32, #tpu.memory_space<vmem>>, %arg9: memref<40x128xf32, #tpu.memory_space<vmem>>, %arg10: memref<40x128xf32, #tpu.memory_space<vmem>>, %arg11: memref<40x128xf32, #tpu.memory_space<vmem>>, %arg12: memref<40x128xf32, #tpu.memory_space<vmem>>, %arg13: memref<10112x128xf32, #tpu.memory_space<vmem_shared>>, %arg14: memref<!tpu.dma_semaphore, #tpu.memory_space<semaphore_mem>>, %arg15: memref<!tpu.dma_semaphore, #tpu.memory_space<semaphore_mem>>, %arg16: memref<!tpu.dma_semaphore, #tpu.memory_space<semaphore_mem>>, %arg17: memref<!tpu.dma_semaphore, #tpu.memory_space<semaphore_mem>>, %arg18: memref<!tpu.dma_semaphore, #tpu.memory_space<semaphore_mem>>) attributes {dimension_semantics = [#tpu.dimension_semantics<core_parallel>, #tpu.dimension_semantics<subcore_parallel>], iteration_bounds = array<i64: 2, 16>, scalar_prefetch = 0 : i64, scratch_operands = 13 : i64, tpu.core_type = #tpu.core_type<sc_vector_subcore>, window_params = [{transform_indices = #map}, {transform_indices = #map1}, {transform_indices = #map}, {transform_indices = #map2}]} {
    %mul3A = arith.constant 16 : i32
    %mul3A_0 = arith.muli %arg0, %mul3A : i32
    %add3A = arith.addi %mul3A_0, %arg1 : i32
    %mul3A_1 = arith.constant 632 : i32
    %mul3A_2 = arith.muli %arg1, %mul3A_1 : i32
    %dma_start3A = arith.constant 0 : i32
    %dma_start3A_3 = tpu.memref_slice %arg13[%mul3A_2, %dma_start3A] : memref<10112x128xf32, #tpu.memory_space<vmem_shared>> -> memref<632x128xf32, #tpu.memory_space<vmem_shared>>
    %dma_start3A_4 = arith.constant 0 : i32
    %dma_start3A_5 = tpu.memref_slice %arg4[%mul3A_2, %dma_start3A_4] : memref<10112x128xf32, #tpu.memory_space<hbm>> -> memref<632x128xf32, #tpu.memory_space<hbm>>
    tpu.enqueue_dma source(%dma_start3A_5 : memref<632x128xf32, #tpu.memory_space<hbm>>) target(%dma_start3A_3 : memref<632x128xf32, #tpu.memory_space<vmem_shared>>) target_semaphore(%arg14 : memref<!tpu.dma_semaphore, #tpu.memory_space<semaphore_mem>>)
    %dma_start3A_6 = arith.constant 0 : i32
    %dma_start3A_7 = arith.constant 0 : i32
    %dma_start3A_8 = arith.constant 0 : i32
    %dma_start3A_9 = tpu.memref_slice %arg3[%dma_start3A_6, %add3A, %dma_start3A_7, %dma_start3A_8] : memref<2x32x1x10000xi32, #tpu.memory_space<hbm>> -> memref<1x1x1x10000xi32, #tpu.memory_space<hbm>>
    %dma_start3A_10 = tpu.memref_squeeze %dma_start3A_9 : memref<1x1x1x10000xi32, #tpu.memory_space<hbm>> -> memref<10000xi32, #tpu.memory_space<hbm>>
    %dma_start3A_11 = arith.constant 0 : i32
    %dma_start3A_12 = tpu.memref_slice %arg3[%dma_start3A_6, %add3A, %dma_start3A_7, %dma_start3A_11] : memref<2x32x1x10000xi32, #tpu.memory_space<hbm>> -> memref<1x1x1x10000xi32, #tpu.memory_space<hbm>>
    %dma_start3A_13 = tpu.memref_squeeze %dma_start3A_12 : memref<1x1x1x10000xi32, #tpu.memory_space<hbm>> -> memref<10000xi32, #tpu.memory_space<hbm>>
    tpu.enqueue_dma source(%dma_start3A_13 : memref<10000xi32, #tpu.memory_space<hbm>>) target(%arg6 : memref<10000xi32, #tpu.memory_space<vmem>>) target_semaphore(%arg15 : memref<!tpu.dma_semaphore, #tpu.memory_space<semaphore_mem>>)
    %dma_start3A_14 = arith.constant 1 : i32
    %dma_start3A_15 = arith.constant 0 : i32
    %dma_start3A_16 = arith.constant 0 : i32
    %dma_start3A_17 = tpu.memref_slice %arg3[%dma_start3A_14, %add3A, %dma_start3A_15, %dma_start3A_16] : memref<2x32x1x10000xi32, #tpu.memory_space<hbm>> -> memref<1x1x1x10000xi32, #tpu.memory_space<hbm>>
    %dma_start3A_18 = tpu.memref_squeeze %dma_start3A_17 : memref<1x1x1x10000xi32, #tpu.memory_space<hbm>> -> memref<10000xi32, #tpu.memory_space<hbm>>
    %dma_start3A_19 = arith.constant 0 : i32
    %dma_start3A_20 = tpu.memref_slice %arg3[%dma_start3A_14, %add3A, %dma_start3A_15, %dma_start3A_19] : memref<2x32x1x10000xi32, #tpu.memory_space<hbm>> -> memref<1x1x1x10000xi32, #tpu.memory_space<hbm>>
    %dma_start3A_21 = tpu.memref_squeeze %dma_start3A_20 : memref<1x1x1x10000xi32, #tpu.memory_space<hbm>> -> memref<10000xi32, #tpu.memory_space<hbm>>
    tpu.enqueue_dma source(%dma_start3A_21 : memref<10000xi32, #tpu.memory_space<hbm>>) target(%arg7 : memref<10000xi32, #tpu.memory_space<vmem>>) target_semaphore(%arg16 : memref<!tpu.dma_semaphore, #tpu.memory_space<semaphore_mem>>)
    %dma_wait3A = arith.constant 0 : i32
    %dma_wait3A_22 = tpu.memref_slice %arg13[%mul3A_2, %dma_wait3A] : memref<10112x128xf32, #tpu.memory_space<vmem_shared>> -> memref<632x128xf32, #tpu.memory_space<vmem_shared>>
    %dma_wait3A_23 = arith.constant 0 : i32
    %dma_wait3A_24 = tpu.memref_slice %arg4[%mul3A_2, %dma_wait3A_23] : memref<10112x128xf32, #tpu.memory_space<hbm>> -> memref<632x128xf32, #tpu.memory_space<hbm>>
    tpu.wait_dma2 semaphore(%arg14 : memref<!tpu.dma_semaphore, #tpu.memory_space<semaphore_mem>>) src(%dma_wait3A_24 : memref<632x128xf32, #tpu.memory_space<hbm>>) dst(%dma_wait3A_22 : memref<632x128xf32, #tpu.memory_space<vmem_shared>>)
    %dma_wait3A_25 = arith.constant 0 : i32
    %dma_wait3A_26 = arith.constant 0 : i32
    %dma_wait3A_27 = arith.constant 0 : i32
    %dma_wait3A_28 = tpu.memref_slice %arg3[%dma_wait3A_25, %add3A, %dma_wait3A_26, %dma_wait3A_27] : memref<2x32x1x10000xi32, #tpu.memory_space<hbm>> -> memref<1x1x1x10000xi32, #tpu.memory_space<hbm>>
    %dma_wait3A_29 = tpu.memref_squeeze %dma_wait3A_28 : memref<1x1x1x10000xi32, #tpu.memory_space<hbm>> -> memref<10000xi32, #tpu.memory_space<hbm>>
    %dma_wait3A_30 = arith.constant 0 : i32
    %dma_wait3A_31 = tpu.memref_slice %arg3[%dma_wait3A_25, %add3A, %dma_wait3A_26, %dma_wait3A_30] : memref<2x32x1x10000xi32, #tpu.memory_space<hbm>> -> memref<1x1x1x10000xi32, #tpu.memory_space<hbm>>
    %dma_wait3A_32 = tpu.memref_squeeze %dma_wait3A_31 : memref<1x1x1x10000xi32, #tpu.memory_space<hbm>> -> memref<10000xi32, #tpu.memory_space<hbm>>
    tpu.wait_dma2 semaphore(%arg15 : memref<!tpu.dma_semaphore, #tpu.memory_space<semaphore_mem>>) src(%dma_wait3A_32 : memref<10000xi32, #tpu.memory_space<hbm>>) dst(%arg6 : memref<10000xi32, #tpu.memory_space<vmem>>)
    %dma_wait3A_33 = arith.constant 1 : i32
    %dma_wait3A_34 = arith.constant 0 : i32
    %dma_wait3A_35 = arith.constant 0 : i32
    %dma_wait3A_36 = tpu.memref_slice %arg3[%dma_wait3A_33, %add3A, %dma_wait3A_34, %dma_wait3A_35] : memref<2x32x1x10000xi32, #tpu.memory_space<hbm>> -> memref<1x1x1x10000xi32, #tpu.memory_space<hbm>>
    %dma_wait3A_37 = tpu.memref_squeeze %dma_wait3A_36 : memref<1x1x1x10000xi32, #tpu.memory_space<hbm>> -> memref<10000xi32, #tpu.memory_space<hbm>>
    %dma_wait3A_38 = arith.constant 0 : i32
    %dma_wait3A_39 = tpu.memref_slice %arg3[%dma_wait3A_33, %add3A, %dma_wait3A_34, %dma_wait3A_38] : memref<2x32x1x10000xi32, #tpu.memory_space<hbm>> -> memref<1x1x1x10000xi32, #tpu.memory_space<hbm>>
    %dma_wait3A_40 = tpu.memref_squeeze %dma_wait3A_39 : memref<1x1x1x10000xi32, #tpu.memory_space<hbm>> -> memref<10000xi32, #tpu.memory_space<hbm>>
    tpu.wait_dma2 semaphore(%arg16 : memref<!tpu.dma_semaphore, #tpu.memory_space<semaphore_mem>>) src(%dma_wait3A_40 : memref<10000xi32, #tpu.memory_space<hbm>>) dst(%arg7 : memref<10000xi32, #tpu.memory_space<vmem>>)
    %barrier3A = arith.constant 0 : index
    tpu.barrier barrier_id(%barrier3A)
    %dma_start3A_41 = arith.constant 0 : i32
    %dma_start3A_42 = tpu.memref_slice %arg6[%dma_start3A_41] : memref<10000xi32, #tpu.memory_space<vmem>> -> memref<40xi32, #tpu.memory_space<vmem>>
    %dma_start3A_43 = arith.constant 0 : i32
    %dma_start3A_44 = arith.constant 0 : i32
    %dma_start3A_45 = tpu.memref_slice %arg2[%dma_start3A_43, %dma_start3A_44] : memref<10000x128xf32, #tpu.memory_space<hbm>> -> memref<10000x128xf32, #tpu.memory_space<hbm>>
    tpu.enqueue_indirect_dma source(%dma_start3A_45 : memref<10000x128xf32, #tpu.memory_space<hbm>>) target(%arg8 : memref<40x128xf32, #tpu.memory_space<vmem>>) offsets(%dma_start3A_42 : memref<40xi32, #tpu.memory_space<vmem>>) semaphore(%arg14 : memref<!tpu.dma_semaphore, #tpu.memory_space<semaphore_mem>>)
    %dma_start3A_46 = arith.constant 40 : i32
    %dma_start3A_47 = tpu.memref_slice %arg6[%dma_start3A_46] : memref<10000xi32, #tpu.memory_space<vmem>> -> memref<40xi32, #tpu.memory_space<vmem>>
    %dma_start3A_48 = arith.constant 0 : i32
    %dma_start3A_49 = arith.constant 0 : i32
    %dma_start3A_50 = tpu.memref_slice %arg2[%dma_start3A_48, %dma_start3A_49] : memref<10000x128xf32, #tpu.memory_space<hbm>> -> memref<10000x128xf32, #tpu.memory_space<hbm>>
    tpu.enqueue_indirect_dma source(%dma_start3A_50 : memref<10000x128xf32, #tpu.memory_space<hbm>>) target(%arg9 : memref<40x128xf32, #tpu.memory_space<vmem>>) offsets(%dma_start3A_47 : memref<40xi32, #tpu.memory_space<vmem>>) semaphore(%arg15 : memref<!tpu.dma_semaphore, #tpu.memory_space<semaphore_mem>>)
    %dma_start3A_51 = arith.constant 80 : i32
    %dma_start3A_52 = tpu.memref_slice %arg6[%dma_start3A_51] : memref<10000xi32, #tpu.memory_space<vmem>> -> memref<40xi32, #tpu.memory_space<vmem>>
    %dma_start3A_53 = arith.constant 0 : i32
    %dma_start3A_54 = arith.constant 0 : i32
    %dma_start3A_55 = tpu.memref_slice %arg2[%dma_start3A_53, %dma_start3A_54] : memref<10000x128xf32, #tpu.memory_space<hbm>> -> memref<10000x128xf32, #tpu.memory_space<hbm>>
    tpu.enqueue_indirect_dma source(%dma_start3A_55 : memref<10000x128xf32, #tpu.memory_space<hbm>>) target(%arg10 : memref<40x128xf32, #tpu.memory_space<vmem>>) offsets(%dma_start3A_52 : memref<40xi32, #tpu.memory_space<vmem>>) semaphore(%arg16 : memref<!tpu.dma_semaphore, #tpu.memory_space<semaphore_mem>>)
    %dma_start3A_56 = arith.constant 120 : i32
    %dma_start3A_57 = tpu.memref_slice %arg6[%dma_start3A_56] : memref<10000xi32, #tpu.memory_space<vmem>> -> memref<40xi32, #tpu.memory_space<vmem>>
    %dma_start3A_58 = arith.constant 0 : i32
    %dma_start3A_59 = arith.constant 0 : i32
    %dma_start3A_60 = tpu.memref_slice %arg2[%dma_start3A_58, %dma_start3A_59] : memref<10000x128xf32, #tpu.memory_space<hbm>> -> memref<10000x128xf32, #tpu.memory_space<hbm>>
    tpu.enqueue_indirect_dma source(%dma_start3A_60 : memref<10000x128xf32, #tpu.memory_space<hbm>>) target(%arg11 : memref<40x128xf32, #tpu.memory_space<vmem>>) offsets(%dma_start3A_57 : memref<40xi32, #tpu.memory_space<vmem>>) semaphore(%arg17 : memref<!tpu.dma_semaphore, #tpu.memory_space<semaphore_mem>>)
    %scan3A = arith.constant 0 : i32
    %scan3A_61 = arith.constant 50 : i32
    %scan3A_62 = arith.addi %scan3A, %scan3A_61 : i32
    %scan3A_63 = arith.constant 1 : i32
    scf.for %scan3A_91 = %scan3A to %scan3A_62 step %scan3A_63  : i32 {
      %mul3A_92 = arith.constant 1 : i32
      %mul3A_93 = arith.muli %scan3A_91, %mul3A_92 : i32
      %add3A_94 = arith.constant 0 : i32
      %add3A_95 = arith.addi %add3A_94, %mul3A_93 : i32
      %mul3A_96 = arith.constant 5 : i32
      %mul3A_97 = arith.muli %add3A_95, %mul3A_96 : i32
      %add3A_98 = arith.constant 0 : i32
      %add3A_99 = arith.addi %mul3A_97, %add3A_98 : i32
      %dma_wait3A_100 = arith.constant 0 : i32
      %dma_wait3A_101 = tpu.memref_slice %arg6[%dma_wait3A_100] : memref<10000xi32, #tpu.memory_space<vmem>> -> memref<40xi32, #tpu.memory_space<vmem>>
      %dma_wait3A_102 = arith.constant 0 : i32
      %dma_wait3A_103 = arith.constant 0 : i32
      %dma_wait3A_104 = tpu.memref_slice %arg2[%dma_wait3A_102, %dma_wait3A_103] : memref<10000x128xf32, #tpu.memory_space<hbm>> -> memref<10000x128xf32, #tpu.memory_space<hbm>>
      tpu.wait_indirect_dma semaphore(%arg14 : memref<!tpu.dma_semaphore, #tpu.memory_space<semaphore_mem>>) src(%dma_wait3A_104 : memref<10000x128xf32, #tpu.memory_space<hbm>>) dst(%arg8 : memref<40x128xf32, #tpu.memory_space<vmem>>)
      %mul3A_105 = arith.constant 40 : i32
      %mul3A_106 = arith.muli %add3A_99, %mul3A_105 : i32
      %dma_start3A_107 = tpu.memref_slice %arg7[%mul3A_106] : memref<10000xi32, #tpu.memory_space<vmem>> -> memref<40xi32, #tpu.memory_space<vmem>>
      %dma_start3A_108 = arith.constant 0 : i32
      %dma_start3A_109 = arith.constant 0 : i32
      %dma_start3A_110 = tpu.memref_slice %arg13[%dma_start3A_108, %dma_start3A_109] : memref<10112x128xf32, #tpu.memory_space<vmem_shared>> -> memref<10112x128xf32, #tpu.memory_space<vmem_shared>>
      tpu.enqueue_indirect_dma source(%arg8 : memref<40x128xf32, #tpu.memory_space<vmem>>) target(%dma_start3A_110 : memref<10112x128xf32, #tpu.memory_space<vmem_shared>>) offsets(%dma_start3A_107 : memref<40xi32, #tpu.memory_space<vmem>>) semaphore(%arg14 : memref<!tpu.dma_semaphore, #tpu.memory_space<semaphore_mem>>) {add = true}
      %add3A_111 = arith.constant 4 : i32
      %add3A_112 = arith.addi %add3A_99, %add3A_111 : i32
      %lt3A = arith.constant 250 : i32
      %lt3A_113 = arith.cmpi slt, %add3A_112, %lt3A : i32
      %convert_element_type3A = arith.extui %lt3A_113 : i1 to i32
      %cond3A = arith.constant 0 : i32
      %cond3A_114 = arith.cmpi ne, %convert_element_type3A, %cond3A : i32
      scf.if %cond3A_114 {
        %ge3A = arith.constant 1 : i32
        %ge3A_203 = arith.cmpi sge, %add3A_99, %ge3A : i32
        %convert_element_type3A_204 = arith.extui %ge3A_203 : i1 to i32
        %cond3A_205 = arith.constant 0 : i32
        %cond3A_206 = arith.cmpi ne, %convert_element_type3A_204, %cond3A_205 : i32
        scf.if %cond3A_206 {
          %dma_wait3A_213 = arith.constant 0 : i32
          %dma_wait3A_214 = tpu.memref_slice %arg6[%dma_wait3A_213] : memref<10000xi32, #tpu.memory_space<vmem>> -> memref<40xi32, #tpu.memory_space<vmem>>
          %dma_wait3A_215 = arith.constant 0 : i32
          %dma_wait3A_216 = arith.constant 0 : i32
          %dma_wait3A_217 = tpu.memref_slice %arg2[%dma_wait3A_215, %dma_wait3A_216] : memref<10000x128xf32, #tpu.memory_space<hbm>> -> memref<10000x128xf32, #tpu.memory_space<hbm>>
          tpu.wait_indirect_dma semaphore(%arg18 : memref<!tpu.dma_semaphore, #tpu.memory_space<semaphore_mem>>) src(%dma_wait3A_217 : memref<10000x128xf32, #tpu.memory_space<hbm>>) dst(%arg12 : memref<40x128xf32, #tpu.memory_space<vmem>>)
        } else {
        }
        %mul3A_207 = arith.constant 40 : i32
        %mul3A_208 = arith.muli %add3A_112, %mul3A_207 : i32
        %dma_start3A_209 = tpu.memref_slice %arg6[%mul3A_208] : memref<10000xi32, #tpu.memory_space<vmem>> -> memref<40xi32, #tpu.memory_space<vmem>>
        %dma_start3A_210 = arith.constant 0 : i32
        %dma_start3A_211 = arith.constant 0 : i32
        %dma_start3A_212 = tpu.memref_slice %arg2[%dma_start3A_210, %dma_start3A_211] : memref<10000x128xf32, #tpu.memory_space<hbm>> -> memref<10000x128xf32, #tpu.memory_space<hbm>>
        tpu.enqueue_indirect_dma source(%dma_start3A_212 : memref<10000x128xf32, #tpu.memory_space<hbm>>) target(%arg12 : memref<40x128xf32, #tpu.memory_space<vmem>>) offsets(%dma_start3A_209 : memref<40xi32, #tpu.memory_space<vmem>>) semaphore(%arg18 : memref<!tpu.dma_semaphore, #tpu.memory_space<semaphore_mem>>)
      } else {
      }
      %mul3A_115 = arith.constant 5 : i32
      %mul3A_116 = arith.muli %add3A_95, %mul3A_115 : i32
      %add3A_117 = arith.constant 1 : i32
      %add3A_118 = arith.addi %mul3A_116, %add3A_117 : i32
      %dma_wait3A_119 = arith.constant 0 : i32
      %dma_wait3A_120 = tpu.memref_slice %arg6[%dma_wait3A_119] : memref<10000xi32, #tpu.memory_space<vmem>> -> memref<40xi32, #tpu.memory_space<vmem>>
      %dma_wait3A_121 = arith.constant 0 : i32
      %dma_wait3A_122 = arith.constant 0 : i32
      %dma_wait3A_123 = tpu.memref_slice %arg2[%dma_wait3A_121, %dma_wait3A_122] : memref<10000x128xf32, #tpu.memory_space<hbm>> -> memref<10000x128xf32, #tpu.memory_space<hbm>>
      tpu.wait_indirect_dma semaphore(%arg15 : memref<!tpu.dma_semaphore, #tpu.memory_space<semaphore_mem>>) src(%dma_wait3A_123 : memref<10000x128xf32, #tpu.memory_space<hbm>>) dst(%arg9 : memref<40x128xf32, #tpu.memory_space<vmem>>)
      %mul3A_124 = arith.constant 40 : i32
      %mul3A_125 = arith.muli %add3A_118, %mul3A_124 : i32
      %dma_start3A_126 = tpu.memref_slice %arg7[%mul3A_125] : memref<10000xi32, #tpu.memory_space<vmem>> -> memref<40xi32, #tpu.memory_space<vmem>>
      %dma_start3A_127 = arith.constant 0 : i32
      %dma_start3A_128 = arith.constant 0 : i32
      %dma_start3A_129 = tpu.memref_slice %arg13[%dma_start3A_127, %dma_start3A_128] : memref<10112x128xf32, #tpu.memory_space<vmem_shared>> -> memref<10112x128xf32, #tpu.memory_space<vmem_shared>>
      tpu.enqueue_indirect_dma source(%arg9 : memref<40x128xf32, #tpu.memory_space<vmem>>) target(%dma_start3A_129 : memref<10112x128xf32, #tpu.memory_space<vmem_shared>>) offsets(%dma_start3A_126 : memref<40xi32, #tpu.memory_space<vmem>>) semaphore(%arg15 : memref<!tpu.dma_semaphore, #tpu.memory_space<semaphore_mem>>) {add = true}
      %add3A_130 = arith.constant 4 : i32
      %add3A_131 = arith.addi %add3A_118, %add3A_130 : i32
      %lt3A_132 = arith.constant 250 : i32
      %lt3A_133 = arith.cmpi slt, %add3A_131, %lt3A_132 : i32
      %convert_element_type3A_134 = arith.extui %lt3A_133 : i1 to i32
      %cond3A_135 = arith.constant 0 : i32
      %cond3A_136 = arith.cmpi ne, %convert_element_type3A_134, %cond3A_135 : i32
      scf.if %cond3A_136 {
        %ge3A = arith.constant 1 : i32
        %ge3A_203 = arith.cmpi sge, %add3A_118, %ge3A : i32
        %convert_element_type3A_204 = arith.extui %ge3A_203 : i1 to i32
        %cond3A_205 = arith.constant 0 : i32
        %cond3A_206 = arith.cmpi ne, %convert_element_type3A_204, %cond3A_205 : i32
        scf.if %cond3A_206 {
          %dma_wait3A_213 = arith.constant 0 : i32
          %dma_wait3A_214 = tpu.memref_slice %arg6[%dma_wait3A_213] : memref<10000xi32, #tpu.memory_space<vmem>> -> memref<40xi32, #tpu.memory_space<vmem>>
          %dma_wait3A_215 = arith.constant 0 : i32
          %dma_wait3A_216 = arith.constant 0 : i32
          %dma_wait3A_217 = tpu.memref_slice %arg2[%dma_wait3A_215, %dma_wait3A_216] : memref<10000x128xf32, #tpu.memory_space<hbm>> -> memref<10000x128xf32, #tpu.memory_space<hbm>>
          tpu.wait_indirect_dma semaphore(%arg14 : memref<!tpu.dma_semaphore, #tpu.memory_space<semaphore_mem>>) src(%dma_wait3A_217 : memref<10000x128xf32, #tpu.memory_space<hbm>>) dst(%arg8 : memref<40x128xf32, #tpu.memory_space<vmem>>)
        } else {
        }
        %mul3A_207 = arith.constant 40 : i32
        %mul3A_208 = arith.muli %add3A_131, %mul3A_207 : i32
        %dma_start3A_209 = tpu.memref_slice %arg6[%mul3A_208] : memref<10000xi32, #tpu.memory_space<vmem>> -> memref<40xi32, #tpu.memory_space<vmem>>
        %dma_start3A_210 = arith.constant 0 : i32
        %dma_start3A_211 = arith.constant 0 : i32
        %dma_start3A_212 = tpu.memref_slice %arg2[%dma_start3A_210, %dma_start3A_211] : memref<10000x128xf32, #tpu.memory_space<hbm>> -> memref<10000x128xf32, #tpu.memory_space<hbm>>
        tpu.enqueue_indirect_dma source(%dma_start3A_212 : memref<10000x128xf32, #tpu.memory_space<hbm>>) target(%arg8 : memref<40x128xf32, #tpu.memory_space<vmem>>) offsets(%dma_start3A_209 : memref<40xi32, #tpu.memory_space<vmem>>) semaphore(%arg14 : memref<!tpu.dma_semaphore, #tpu.memory_space<semaphore_mem>>)
      } else {
      }
      %mul3A_137 = arith.constant 5 : i32
      %mul3A_138 = arith.muli %add3A_95, %mul3A_137 : i32
      %add3A_139 = arith.constant 2 : i32
      %add3A_140 = arith.addi %mul3A_138, %add3A_139 : i32
      %dma_wait3A_141 = arith.constant 0 : i32
      %dma_wait3A_142 = tpu.memref_slice %arg6[%dma_wait3A_141] : memref<10000xi32, #tpu.memory_space<vmem>> -> memref<40xi32, #tpu.memory_space<vmem>>
      %dma_wait3A_143 = arith.constant 0 : i32
      %dma_wait3A_144 = arith.constant 0 : i32
      %dma_wait3A_145 = tpu.memref_slice %arg2[%dma_wait3A_143, %dma_wait3A_144] : memref<10000x128xf32, #tpu.memory_space<hbm>> -> memref<10000x128xf32, #tpu.memory_space<hbm>>
      tpu.wait_indirect_dma semaphore(%arg16 : memref<!tpu.dma_semaphore, #tpu.memory_space<semaphore_mem>>) src(%dma_wait3A_145 : memref<10000x128xf32, #tpu.memory_space<hbm>>) dst(%arg10 : memref<40x128xf32, #tpu.memory_space<vmem>>)
      %mul3A_146 = arith.constant 40 : i32
      %mul3A_147 = arith.muli %add3A_140, %mul3A_146 : i32
      %dma_start3A_148 = tpu.memref_slice %arg7[%mul3A_147] : memref<10000xi32, #tpu.memory_space<vmem>> -> memref<40xi32, #tpu.memory_space<vmem>>
      %dma_start3A_149 = arith.constant 0 : i32
      %dma_start3A_150 = arith.constant 0 : i32
      %dma_start3A_151 = tpu.memref_slice %arg13[%dma_start3A_149, %dma_start3A_150] : memref<10112x128xf32, #tpu.memory_space<vmem_shared>> -> memref<10112x128xf32, #tpu.memory_space<vmem_shared>>
      tpu.enqueue_indirect_dma source(%arg10 : memref<40x128xf32, #tpu.memory_space<vmem>>) target(%dma_start3A_151 : memref<10112x128xf32, #tpu.memory_space<vmem_shared>>) offsets(%dma_start3A_148 : memref<40xi32, #tpu.memory_space<vmem>>) semaphore(%arg16 : memref<!tpu.dma_semaphore, #tpu.memory_space<semaphore_mem>>) {add = true}
      %add3A_152 = arith.constant 4 : i32
      %add3A_153 = arith.addi %add3A_140, %add3A_152 : i32
      %lt3A_154 = arith.constant 250 : i32
      %lt3A_155 = arith.cmpi slt, %add3A_153, %lt3A_154 : i32
      %convert_element_type3A_156 = arith.extui %lt3A_155 : i1 to i32
      %cond3A_157 = arith.constant 0 : i32
      %cond3A_158 = arith.cmpi ne, %convert_element_type3A_156, %cond3A_157 : i32
      scf.if %cond3A_158 {
        %ge3A = arith.constant 1 : i32
        %ge3A_203 = arith.cmpi sge, %add3A_140, %ge3A : i32
        %convert_element_type3A_204 = arith.extui %ge3A_203 : i1 to i32
        %cond3A_205 = arith.constant 0 : i32
        %cond3A_206 = arith.cmpi ne, %convert_element_type3A_204, %cond3A_205 : i32
        scf.if %cond3A_206 {
          %dma_wait3A_213 = arith.constant 0 : i32
          %dma_wait3A_214 = tpu.memref_slice %arg6[%dma_wait3A_213] : memref<10000xi32, #tpu.memory_space<vmem>> -> memref<40xi32, #tpu.memory_space<vmem>>
          %dma_wait3A_215 = arith.constant 0 : i32
          %dma_wait3A_216 = arith.constant 0 : i32
          %dma_wait3A_217 = tpu.memref_slice %arg2[%dma_wait3A_215, %dma_wait3A_216] : memref<10000x128xf32, #tpu.memory_space<hbm>> -> memref<10000x128xf32, #tpu.memory_space<hbm>>
          tpu.wait_indirect_dma semaphore(%arg15 : memref<!tpu.dma_semaphore, #tpu.memory_space<semaphore_mem>>) src(%dma_wait3A_217 : memref<10000x128xf32, #tpu.memory_space<hbm>>) dst(%arg9 : memref<40x128xf32, #tpu.memory_space<vmem>>)
        } else {
        }
        %mul3A_207 = arith.constant 40 : i32
        %mul3A_208 = arith.muli %add3A_153, %mul3A_207 : i32
        %dma_start3A_209 = tpu.memref_slice %arg6[%mul3A_208] : memref<10000xi32, #tpu.memory_space<vmem>> -> memref<40xi32, #tpu.memory_space<vmem>>
        %dma_start3A_210 = arith.constant 0 : i32
        %dma_start3A_211 = arith.constant 0 : i32
        %dma_start3A_212 = tpu.memref_slice %arg2[%dma_start3A_210, %dma_start3A_211] : memref<10000x128xf32, #tpu.memory_space<hbm>> -> memref<10000x128xf32, #tpu.memory_space<hbm>>
        tpu.enqueue_indirect_dma source(%dma_start3A_212 : memref<10000x128xf32, #tpu.memory_space<hbm>>) target(%arg9 : memref<40x128xf32, #tpu.memory_space<vmem>>) offsets(%dma_start3A_209 : memref<40xi32, #tpu.memory_space<vmem>>) semaphore(%arg15 : memref<!tpu.dma_semaphore, #tpu.memory_space<semaphore_mem>>)
      } else {
      }
      %mul3A_159 = arith.constant 5 : i32
      %mul3A_160 = arith.muli %add3A_95, %mul3A_159 : i32
      %add3A_161 = arith.constant 3 : i32
      %add3A_162 = arith.addi %mul3A_160, %add3A_161 : i32
      %dma_wait3A_163 = arith.constant 0 : i32
      %dma_wait3A_164 = tpu.memref_slice %arg6[%dma_wait3A_163] : memref<10000xi32, #tpu.memory_space<vmem>> -> memref<40xi32, #tpu.memory_space<vmem>>
      %dma_wait3A_165 = arith.constant 0 : i32
      %dma_wait3A_166 = arith.constant 0 : i32
      %dma_wait3A_167 = tpu.memref_slice %arg2[%dma_wait3A_165, %dma_wait3A_166] : memref<10000x128xf32, #tpu.memory_space<hbm>> -> memref<10000x128xf32, #tpu.memory_space<hbm>>
      tpu.wait_indirect_dma semaphore(%arg17 : memref<!tpu.dma_semaphore, #tpu.memory_space<semaphore_mem>>) src(%dma_wait3A_167 : memref<10000x128xf32, #tpu.memory_space<hbm>>) dst(%arg11 : memref<40x128xf32, #tpu.memory_space<vmem>>)
      %mul3A_168 = arith.constant 40 : i32
      %mul3A_169 = arith.muli %add3A_162, %mul3A_168 : i32
      %dma_start3A_170 = tpu.memref_slice %arg7[%mul3A_169] : memref<10000xi32, #tpu.memory_space<vmem>> -> memref<40xi32, #tpu.memory_space<vmem>>
      %dma_start3A_171 = arith.constant 0 : i32
      %dma_start3A_172 = arith.constant 0 : i32
      %dma_start3A_173 = tpu.memref_slice %arg13[%dma_start3A_171, %dma_start3A_172] : memref<10112x128xf32, #tpu.memory_space<vmem_shared>> -> memref<10112x128xf32, #tpu.memory_space<vmem_shared>>
      tpu.enqueue_indirect_dma source(%arg11 : memref<40x128xf32, #tpu.memory_space<vmem>>) target(%dma_start3A_173 : memref<10112x128xf32, #tpu.memory_space<vmem_shared>>) offsets(%dma_start3A_170 : memref<40xi32, #tpu.memory_space<vmem>>) semaphore(%arg17 : memref<!tpu.dma_semaphore, #tpu.memory_space<semaphore_mem>>) {add = true}
      %add3A_174 = arith.constant 4 : i32
      %add3A_175 = arith.addi %add3A_162, %add3A_174 : i32
      %lt3A_176 = arith.constant 250 : i32
      %lt3A_177 = arith.cmpi slt, %add3A_175, %lt3A_176 : i32
      %convert_element_type3A_178 = arith.extui %lt3A_177 : i1 to i32
      %cond3A_179 = arith.constant 0 : i32
      %cond3A_180 = arith.cmpi ne, %convert_element_type3A_178, %cond3A_179 : i32
      scf.if %cond3A_180 {
        %ge3A = arith.constant 1 : i32
        %ge3A_203 = arith.cmpi sge, %add3A_162, %ge3A : i32
        %convert_element_type3A_204 = arith.extui %ge3A_203 : i1 to i32
        %cond3A_205 = arith.constant 0 : i32
        %cond3A_206 = arith.cmpi ne, %convert_element_type3A_204, %cond3A_205 : i32
        scf.if %cond3A_206 {
          %dma_wait3A_213 = arith.constant 0 : i32
          %dma_wait3A_214 = tpu.memref_slice %arg6[%dma_wait3A_213] : memref<10000xi32, #tpu.memory_space<vmem>> -> memref<40xi32, #tpu.memory_space<vmem>>
          %dma_wait3A_215 = arith.constant 0 : i32
          %dma_wait3A_216 = arith.constant 0 : i32
          %dma_wait3A_217 = tpu.memref_slice %arg2[%dma_wait3A_215, %dma_wait3A_216] : memref<10000x128xf32, #tpu.memory_space<hbm>> -> memref<10000x128xf32, #tpu.memory_space<hbm>>
          tpu.wait_indirect_dma semaphore(%arg16 : memref<!tpu.dma_semaphore, #tpu.memory_space<semaphore_mem>>) src(%dma_wait3A_217 : memref<10000x128xf32, #tpu.memory_space<hbm>>) dst(%arg10 : memref<40x128xf32, #tpu.memory_space<vmem>>)
        } else {
        }
        %mul3A_207 = arith.constant 40 : i32
        %mul3A_208 = arith.muli %add3A_175, %mul3A_207 : i32
        %dma_start3A_209 = tpu.memref_slice %arg6[%mul3A_208] : memref<10000xi32, #tpu.memory_space<vmem>> -> memref<40xi32, #tpu.memory_space<vmem>>
        %dma_start3A_210 = arith.constant 0 : i32
        %dma_start3A_211 = arith.constant 0 : i32
        %dma_start3A_212 = tpu.memref_slice %arg2[%dma_start3A_210, %dma_start3A_211] : memref<10000x128xf32, #tpu.memory_space<hbm>> -> memref<10000x128xf32, #tpu.memory_space<hbm>>
        tpu.enqueue_indirect_dma source(%dma_start3A_212 : memref<10000x128xf32, #tpu.memory_space<hbm>>) target(%arg10 : memref<40x128xf32, #tpu.memory_space<vmem>>) offsets(%dma_start3A_209 : memref<40xi32, #tpu.memory_space<vmem>>) semaphore(%arg16 : memref<!tpu.dma_semaphore, #tpu.memory_space<semaphore_mem>>)
      } else {
      }
      %mul3A_181 = arith.constant 5 : i32
      %mul3A_182 = arith.muli %add3A_95, %mul3A_181 : i32
      %add3A_183 = arith.constant 4 : i32
      %add3A_184 = arith.addi %mul3A_182, %add3A_183 : i32
      %dma_wait3A_185 = arith.constant 0 : i32
      %dma_wait3A_186 = tpu.memref_slice %arg6[%dma_wait3A_185] : memref<10000xi32, #tpu.memory_space<vmem>> -> memref<40xi32, #tpu.memory_space<vmem>>
      %dma_wait3A_187 = arith.constant 0 : i32
      %dma_wait3A_188 = arith.constant 0 : i32
      %dma_wait3A_189 = tpu.memref_slice %arg2[%dma_wait3A_187, %dma_wait3A_188] : memref<10000x128xf32, #tpu.memory_space<hbm>> -> memref<10000x128xf32, #tpu.memory_space<hbm>>
      tpu.wait_indirect_dma semaphore(%arg18 : memref<!tpu.dma_semaphore, #tpu.memory_space<semaphore_mem>>) src(%dma_wait3A_189 : memref<10000x128xf32, #tpu.memory_space<hbm>>) dst(%arg12 : memref<40x128xf32, #tpu.memory_space<vmem>>)
      %mul3A_190 = arith.constant 40 : i32
      %mul3A_191 = arith.muli %add3A_184, %mul3A_190 : i32
      %dma_start3A_192 = tpu.memref_slice %arg7[%mul3A_191] : memref<10000xi32, #tpu.memory_space<vmem>> -> memref<40xi32, #tpu.memory_space<vmem>>
      %dma_start3A_193 = arith.constant 0 : i32
      %dma_start3A_194 = arith.constant 0 : i32
      %dma_start3A_195 = tpu.memref_slice %arg13[%dma_start3A_193, %dma_start3A_194] : memref<10112x128xf32, #tpu.memory_space<vmem_shared>> -> memref<10112x128xf32, #tpu.memory_space<vmem_shared>>
      tpu.enqueue_indirect_dma source(%arg12 : memref<40x128xf32, #tpu.memory_space<vmem>>) target(%dma_start3A_195 : memref<10112x128xf32, #tpu.memory_space<vmem_shared>>) offsets(%dma_start3A_192 : memref<40xi32, #tpu.memory_space<vmem>>) semaphore(%arg18 : memref<!tpu.dma_semaphore, #tpu.memory_space<semaphore_mem>>) {add = true}
      %add3A_196 = arith.constant 4 : i32
      %add3A_197 = arith.addi %add3A_184, %add3A_196 : i32
      %lt3A_198 = arith.constant 250 : i32
      %lt3A_199 = arith.cmpi slt, %add3A_197, %lt3A_198 : i32
      %convert_element_type3A_200 = arith.extui %lt3A_199 : i1 to i32
      %cond3A_201 = arith.constant 0 : i32
      %cond3A_202 = arith.cmpi ne, %convert_element_type3A_200, %cond3A_201 : i32
      scf.if %cond3A_202 {
        %ge3A = arith.constant 1 : i32
        %ge3A_203 = arith.cmpi sge, %add3A_184, %ge3A : i32
        %convert_element_type3A_204 = arith.extui %ge3A_203 : i1 to i32
        %cond3A_205 = arith.constant 0 : i32
        %cond3A_206 = arith.cmpi ne, %convert_element_type3A_204, %cond3A_205 : i32
        scf.if %cond3A_206 {
          %dma_wait3A_213 = arith.constant 0 : i32
          %dma_wait3A_214 = tpu.memref_slice %arg6[%dma_wait3A_213] : memref<10000xi32, #tpu.memory_space<vmem>> -> memref<40xi32, #tpu.memory_space<vmem>>
          %dma_wait3A_215 = arith.constant 0 : i32
          %dma_wait3A_216 = arith.constant 0 : i32
          %dma_wait3A_217 = tpu.memref_slice %arg2[%dma_wait3A_215, %dma_wait3A_216] : memref<10000x128xf32, #tpu.memory_space<hbm>> -> memref<10000x128xf32, #tpu.memory_space<hbm>>
          tpu.wait_indirect_dma semaphore(%arg17 : memref<!tpu.dma_semaphore, #tpu.memory_space<semaphore_mem>>) src(%dma_wait3A_217 : memref<10000x128xf32, #tpu.memory_space<hbm>>) dst(%arg11 : memref<40x128xf32, #tpu.memory_space<vmem>>)
        } else {
        }
        %mul3A_207 = arith.constant 40 : i32
        %mul3A_208 = arith.muli %add3A_197, %mul3A_207 : i32
        %dma_start3A_209 = tpu.memref_slice %arg6[%mul3A_208] : memref<10000xi32, #tpu.memory_space<vmem>> -> memref<40xi32, #tpu.memory_space<vmem>>
        %dma_start3A_210 = arith.constant 0 : i32
        %dma_start3A_211 = arith.constant 0 : i32
        %dma_start3A_212 = tpu.memref_slice %arg2[%dma_start3A_210, %dma_start3A_211] : memref<10000x128xf32, #tpu.memory_space<hbm>> -> memref<10000x128xf32, #tpu.memory_space<hbm>>
        tpu.enqueue_indirect_dma source(%dma_start3A_212 : memref<10000x128xf32, #tpu.memory_space<hbm>>) target(%arg11 : memref<40x128xf32, #tpu.memory_space<vmem>>) offsets(%dma_start3A_209 : memref<40xi32, #tpu.memory_space<vmem>>) semaphore(%arg17 : memref<!tpu.dma_semaphore, #tpu.memory_space<semaphore_mem>>)
      } else {
      }
    }
    %scan3A_64 = arith.constant 50 : i32
    %dma_wait3A_65 = arith.constant 0 : i32
    %dma_wait3A_66 = tpu.memref_slice %arg6[%dma_wait3A_65] : memref<10000xi32, #tpu.memory_space<vmem>> -> memref<40xi32, #tpu.memory_space<vmem>>
    %dma_wait3A_67 = arith.constant 0 : i32
    %dma_wait3A_68 = arith.constant 0 : i32
    %dma_wait3A_69 = tpu.memref_slice %arg2[%dma_wait3A_67, %dma_wait3A_68] : memref<10000x128xf32, #tpu.memory_space<hbm>> -> memref<10000x128xf32, #tpu.memory_space<hbm>>
    tpu.wait_indirect_dma semaphore(%arg14 : memref<!tpu.dma_semaphore, #tpu.memory_space<semaphore_mem>>) src(%dma_wait3A_69 : memref<10000x128xf32, #tpu.memory_space<hbm>>) dst(%arg8 : memref<40x128xf32, #tpu.memory_space<vmem>>)
    %dma_wait3A_70 = arith.constant 0 : i32
    %dma_wait3A_71 = tpu.memref_slice %arg6[%dma_wait3A_70] : memref<10000xi32, #tpu.memory_space<vmem>> -> memref<40xi32, #tpu.memory_space<vmem>>
    %dma_wait3A_72 = arith.constant 0 : i32
    %dma_wait3A_73 = arith.constant 0 : i32
    %dma_wait3A_74 = tpu.memref_slice %arg2[%dma_wait3A_72, %dma_wait3A_73] : memref<10000x128xf32, #tpu.memory_space<hbm>> -> memref<10000x128xf32, #tpu.memory_space<hbm>>
    tpu.wait_indirect_dma semaphore(%arg15 : memref<!tpu.dma_semaphore, #tpu.memory_space<semaphore_mem>>) src(%dma_wait3A_74 : memref<10000x128xf32, #tpu.memory_space<hbm>>) dst(%arg9 : memref<40x128xf32, #tpu.memory_space<vmem>>)
    %dma_wait3A_75 = arith.constant 0 : i32
    %dma_wait3A_76 = tpu.memref_slice %arg6[%dma_wait3A_75] : memref<10000xi32, #tpu.memory_space<vmem>> -> memref<40xi32, #tpu.memory_space<vmem>>
    %dma_wait3A_77 = arith.constant 0 : i32
    %dma_wait3A_78 = arith.constant 0 : i32
    %dma_wait3A_79 = tpu.memref_slice %arg2[%dma_wait3A_77, %dma_wait3A_78] : memref<10000x128xf32, #tpu.memory_space<hbm>> -> memref<10000x128xf32, #tpu.memory_space<hbm>>
    tpu.wait_indirect_dma semaphore(%arg16 : memref<!tpu.dma_semaphore, #tpu.memory_space<semaphore_mem>>) src(%dma_wait3A_79 : memref<10000x128xf32, #tpu.memory_space<hbm>>) dst(%arg10 : memref<40x128xf32, #tpu.memory_space<vmem>>)
    %dma_wait3A_80 = arith.constant 0 : i32
    %dma_wait3A_81 = tpu.memref_slice %arg6[%dma_wait3A_80] : memref<10000xi32, #tpu.memory_space<vmem>> -> memref<40xi32, #tpu.memory_space<vmem>>
    %dma_wait3A_82 = arith.constant 0 : i32
    %dma_wait3A_83 = arith.constant 0 : i32
    %dma_wait3A_84 = tpu.memref_slice %arg2[%dma_wait3A_82, %dma_wait3A_83] : memref<10000x128xf32, #tpu.memory_space<hbm>> -> memref<10000x128xf32, #tpu.memory_space<hbm>>
    tpu.wait_indirect_dma semaphore(%arg17 : memref<!tpu.dma_semaphore, #tpu.memory_space<semaphore_mem>>) src(%dma_wait3A_84 : memref<10000x128xf32, #tpu.memory_space<hbm>>) dst(%arg11 : memref<40x128xf32, #tpu.memory_space<vmem>>)
    %dma_wait3A_85 = arith.constant 0 : i32
    %dma_wait3A_86 = tpu.memref_slice %arg6[%dma_wait3A_85] : memref<10000xi32, #tpu.memory_space<vmem>> -> memref<40xi32, #tpu.memory_space<vmem>>
    %dma_wait3A_87 = arith.constant 0 : i32
    %dma_wait3A_88 = arith.constant 0 : i32
    %dma_wait3A_89 = tpu.memref_slice %arg2[%dma_wait3A_87, %dma_wait3A_88] : memref<10000x128xf32, #tpu.memory_space<hbm>> -> memref<10000x128xf32, #tpu.memory_space<hbm>>
    tpu.wait_indirect_dma semaphore(%arg18 : memref<!tpu.dma_semaphore, #tpu.memory_space<semaphore_mem>>) src(%dma_wait3A_89 : memref<10000x128xf32, #tpu.memory_space<hbm>>) dst(%arg12 : memref<40x128xf32, #tpu.memory_space<vmem>>)
    %barrier3A_90 = arith.constant 0 : index
    tpu.barrier barrier_id(%barrier3A_90)
    "tpu.region"() ({
      %run_scoped3A = tpu.sem_alloc : memref<!tpu.dma_semaphore, #tpu.memory_space<semaphore_mem>>
      %dma_start3A_91 = arith.constant 0 : i32
      %dma_start3A_92 = tpu.memref_slice %arg5[%arg0, %mul3A_2, %dma_start3A_91] : memref<2x10112x128xf32, #tpu.memory_space<hbm>> -> memref<1x632x128xf32, #tpu.memory_space<hbm>>
      %dma_start3A_93 = tpu.memref_squeeze %dma_start3A_92 : memref<1x632x128xf32, #tpu.memory_space<hbm>> -> memref<632x128xf32, #tpu.memory_space<hbm>>
      %dma_start3A_94 = arith.constant 0 : i32
      %dma_start3A_95 = tpu.memref_slice %arg13[%mul3A_2, %dma_start3A_94] : memref<10112x128xf32, #tpu.memory_space<vmem_shared>> -> memref<632x128xf32, #tpu.memory_space<vmem_shared>>
      tpu.enqueue_dma source(%dma_start3A_95 : memref<632x128xf32, #tpu.memory_space<vmem_shared>>) target(%dma_start3A_93 : memref<632x128xf32, #tpu.memory_space<hbm>>) target_semaphore(%run_scoped3A : memref<!tpu.dma_semaphore, #tpu.memory_space<semaphore_mem>>)
      %dma_wait3A_96 = arith.constant 0 : i32
      %dma_wait3A_97 = tpu.memref_slice %arg5[%arg0, %mul3A_2, %dma_wait3A_96] : memref<2x10112x128xf32, #tpu.memory_space<hbm>> -> memref<1x632x128xf32, #tpu.memory_space<hbm>>
      %dma_wait3A_98 = tpu.memref_squeeze %dma_wait3A_97 : memref<1x632x128xf32, #tpu.memory_space<hbm>> -> memref<632x128xf32, #tpu.memory_space<hbm>>
      %dma_wait3A_99 = arith.constant 0 : i32
      %dma_wait3A_100 = tpu.memref_slice %arg13[%mul3A_2, %dma_wait3A_99] : memref<10112x128xf32, #tpu.memory_space<vmem_shared>> -> memref<632x128xf32, #tpu.memory_space<vmem_shared>>
      tpu.wait_dma2 semaphore(%run_scoped3A : memref<!tpu.dma_semaphore, #tpu.memory_space<semaphore_mem>>) src(%dma_wait3A_100 : memref<632x128xf32, #tpu.memory_space<vmem_shared>>) dst(%dma_wait3A_98 : memref<632x128xf32, #tpu.memory_space<hbm>>)
      tpu.yield
    }) : () -> ()
    return
  }
}

module attributes {stable_mosaic.version = 14 : i64} {
  func.func @_tc_layer_body(%arg0: i32, %arg1: memref<2x2000x128xf32, #tpu.memory_space<vmem>>, %arg2: memref<2000x32xf32, #tpu.memory_space<vmem>>, %arg3: memref<2000x128xf32, #tpu.memory_space<vmem>>, %arg4: memref<128x128xf32, #tpu.memory_space<vmem>>, %arg5: memref<1x128xf32, #tpu.memory_space<vmem>>, %arg6: memref<128x128xf32, #tpu.memory_space<vmem>>, %arg7: memref<2000x128xf32, #tpu.memory_space<vmem>>) attributes {dimension_semantics = [#tpu.dimension_semantics<arbitrary>], iteration_bounds = array<i64: 5>, scalar_prefetch = 0 : i64, scratch_operands = 0 : i64, tpu.core_type = #tpu.core_type<tc>, window_params = [{transform_indices = @transform_0, window_bounds = array<i64: 2, 2000, 128>}, {transform_indices = @transform_1, window_bounds = array<i64: 2000, 32>}, {transform_indices = @transform_2, window_bounds = array<i64: 2000, 128>}, {pipeline_mode = #tpu.pipeline_mode<synchronous>, transform_indices = @transform_3, window_bounds = array<i64: 128, 128>}, {pipeline_mode = #tpu.pipeline_mode<synchronous>, transform_indices = @transform_4, window_bounds = array<i64: 1, 128>}, {pipeline_mode = #tpu.pipeline_mode<synchronous>, transform_indices = @transform_5, window_bounds = array<i64: 128, 128>}, {transform_indices = @transform_6, window_bounds = array<i64: 2000, 128>}]} {
    %get3A = arith.constant 0 : index
    %get3A_0 = arith.constant 0 : index
    %get3A_1 = arith.constant 0 : index
    %get3A_2 = vector.load %arg1[%get3A, %get3A_0, %get3A_1] : memref<2x2000x128xf32, #tpu.memory_space<vmem>>, vector<1x2000x128xf32>
    %get3A_3 = vector.shape_cast %get3A_2 : vector<1x2000x128xf32> to vector<2000x128xf32>
    %get3A_4 = arith.constant 1 : index
    %get3A_5 = arith.constant 0 : index
    %get3A_6 = arith.constant 0 : index
    %get3A_7 = vector.load %arg1[%get3A_4, %get3A_5, %get3A_6] : memref<2x2000x128xf32, #tpu.memory_space<vmem>>, vector<1x2000x128xf32>
    %get3A_8 = vector.shape_cast %get3A_7 : vector<1x2000x128xf32> to vector<2000x128xf32>
    %add3A = arith.addf %get3A_3, %get3A_8 : vector<2000x128xf32>
    %get3A_9 = arith.constant 0 : index
    %get3A_10 = arith.constant 0 : index
    %get3A_11 = vector.load %arg2[%get3A_9, %get3A_10] : memref<2000x32xf32, #tpu.memory_space<vmem>>, vector<2000x32xf32>
    %reduce_sum3A = arith.constant dense<0.000000e+00> : vector<2000xf32>
    %reduce_sum3A_12 = vector.multi_reduction <add>, %get3A_11, %reduce_sum3A [1] : vector<2000x32xf32> to vector<2000xf32>
    %broadcast_in_dim3A = vector.shape_cast %reduce_sum3A_12 : vector<2000xf32> to vector<2000x1xf32>
    %max3A = arith.constant 1.000000e+00 : f32
    %max3A_13 = vector.broadcast %max3A : f32 to vector<2000x1xf32>
    %max3A_14 = arith.maximumf %broadcast_in_dim3A, %max3A_13 : vector<2000x1xf32>
    %div3A = arith.constant 1.000000e+00 : f32
    %div3A_15 = vector.broadcast %div3A : f32 to vector<2000x1xf32>
    %div3A_16 = arith.divf %div3A_15, %max3A_14 : vector<2000x1xf32>
    %mul3A = vector.broadcast %div3A_16 : vector<2000x1xf32> to vector<2000x128xf32>
    %mul3A_17 = arith.mulf %add3A, %mul3A : vector<2000x128xf32>
    %get3A_18 = arith.constant 0 : index
    %get3A_19 = arith.constant 0 : index
    %get3A_20 = vector.load %arg4[%get3A_18, %get3A_19] : memref<128x128xf32, #tpu.memory_space<vmem>>, vector<128x128xf32>
    %dot_general3A = arith.constant dense<0.000000e+00> : vector<2000x128xf32>
    %dot_general3A_21 = tpu.matmul %mul3A_17, %get3A_20, %dot_general3A {dimension_numbers = #tpu.dot_dimension_numbers<[1], [1], [0], [0], [0, 0, 1, 0], [], []>, precision = #tpu.contract_precision<fp32>, transpose_lhs_hint = false} : vector<2000x128xf32>, vector<128x128xf32>, vector<2000x128xf32> -> vector<2000x128xf32>
    %get3A_22 = arith.constant 0 : index
    %get3A_23 = arith.constant 0 : index
    %get3A_24 = vector.load %arg3[%get3A_22, %get3A_23] : memref<2000x128xf32, #tpu.memory_space<vmem>>, vector<2000x128xf32>
    %get3A_25 = arith.constant 0 : index
    %get3A_26 = arith.constant 0 : index
    %get3A_27 = vector.load %arg6[%get3A_25, %get3A_26] : memref<128x128xf32, #tpu.memory_space<vmem>>, vector<128x128xf32>
    %dot_general3A_28 = arith.constant dense<0.000000e+00> : vector<2000x128xf32>
    %dot_general3A_29 = tpu.matmul %get3A_24, %get3A_27, %dot_general3A_28 {dimension_numbers = #tpu.dot_dimension_numbers<[1], [1], [0], [0], [0, 0, 1, 0], [], []>, precision = #tpu.contract_precision<fp32>, transpose_lhs_hint = false} : vector<2000x128xf32>, vector<128x128xf32>, vector<2000x128xf32> -> vector<2000x128xf32>
    %add3A_30 = arith.addf %dot_general3A_21, %dot_general3A_29 : vector<2000x128xf32>
    %get3A_31 = arith.constant 0 : index
    %get3A_32 = arith.constant 0 : index
    %get3A_33 = vector.load %arg5[%get3A_31, %get3A_32] : memref<1x128xf32, #tpu.memory_space<vmem>>, vector<1x128xf32>
    %add3A_34 = vector.broadcast %get3A_33 : vector<1x128xf32> to vector<2000x128xf32>
    %add3A_35 = arith.addf %add3A_30, %add3A_34 : vector<2000x128xf32>
    %max3A_36 = arith.constant 0.000000e+00 : f32
    %max3A_37 = vector.broadcast %max3A_36 : f32 to vector<2000x128xf32>
    %max3A_38 = arith.maximumf %add3A_35, %max3A_37 : vector<2000x128xf32>
    %swap3A = arith.constant 0 : index
    %swap3A_39 = arith.constant 0 : index
    %swap3A_40 = vector.load %arg7[%swap3A, %swap3A_39] : memref<2000x128xf32, #tpu.memory_space<vmem>>, vector<2000x128xf32>
    tpu.vector_store %arg7[%swap3A, %swap3A_39], %max3A_38 {strides = array<i32>} : memref<2000x128xf32, #tpu.memory_space<vmem>>, vector<2000x128xf32>,
    return
  }
  func.func @transform_0(%arg0: i32) -> (i32, i32, i32) {
    %c0_i32 = arith.constant 0 : i32
    %c0_i32_0 = arith.constant 0 : i32
    %c0_i32_1 = arith.constant 0 : i32
    return %c0_i32, %arg0, %c0_i32_0 : i32, i32, i32
  }
  func.func @transform_1(%arg0: i32) -> (i32, i32) {
    %c0_i32 = arith.constant 0 : i32
    %c0_i32_0 = arith.constant 0 : i32
    return %arg0, %c0_i32 : i32, i32
  }
  func.func @transform_2(%arg0: i32) -> (i32, i32) {
    %c0_i32 = arith.constant 0 : i32
    %c0_i32_0 = arith.constant 0 : i32
    return %arg0, %c0_i32 : i32, i32
  }
  func.func @transform_3(%arg0: i32) -> (i32, i32) {
    %c0_i32 = arith.constant 0 : i32
    %c0_i32_0 = arith.constant 0 : i32
    %c0_i32_1 = arith.constant 0 : i32
    return %c0_i32, %c0_i32_0 : i32, i32
  }
  func.func @transform_4(%arg0: i32) -> (i32, i32) {
    %c0_i32 = arith.constant 0 : i32
    %c0_i32_0 = arith.constant 0 : i32
    %c0_i32_1 = arith.constant 0 : i32
    return %c0_i32, %c0_i32_0 : i32, i32
  }
  func.func @transform_5(%arg0: i32) -> (i32, i32) {
    %c0_i32 = arith.constant 0 : i32
    %c0_i32_0 = arith.constant 0 : i32
    %c0_i32_1 = arith.constant 0 : i32
    return %c0_i32, %c0_i32_0 : i32, i32
  }
  func.func @transform_6(%arg0: i32) -> (i32, i32) {
    %c0_i32 = arith.constant 0 : i32
    %c0_i32_0 = arith.constant 0 : i32
    return %arg0, %c0_i32 : i32, i32
  }
}

module attributes {stable_mosaic.version = 14 : i64} {
  func.func @_tc_layer_body(%arg0: i32, %arg1: memref<2x2000x128xf32, #tpu.memory_space<vmem>>, %arg2: memref<2000x32xf32, #tpu.memory_space<vmem>>, %arg3: memref<2000x128xf32, #tpu.memory_space<vmem>>, %arg4: memref<128x128xf32, #tpu.memory_space<vmem>>, %arg5: memref<1x128xf32, #tpu.memory_space<vmem>>, %arg6: memref<128x128xf32, #tpu.memory_space<vmem>>, %arg7: memref<2000x128xf32, #tpu.memory_space<vmem>>) attributes {dimension_semantics = [#tpu.dimension_semantics<arbitrary>], iteration_bounds = array<i64: 5>, scalar_prefetch = 0 : i64, scratch_operands = 0 : i64, tpu.core_type = #tpu.core_type<tc>, window_params = [{transform_indices = @transform_0, window_bounds = array<i64: 2, 2000, 128>}, {transform_indices = @transform_1, window_bounds = array<i64: 2000, 32>}, {transform_indices = @transform_2, window_bounds = array<i64: 2000, 128>}, {pipeline_mode = #tpu.pipeline_mode<synchronous>, transform_indices = @transform_3, window_bounds = array<i64: 128, 128>}, {pipeline_mode = #tpu.pipeline_mode<synchronous>, transform_indices = @transform_4, window_bounds = array<i64: 1, 128>}, {pipeline_mode = #tpu.pipeline_mode<synchronous>, transform_indices = @transform_5, window_bounds = array<i64: 128, 128>}, {transform_indices = @transform_6, window_bounds = array<i64: 2000, 128>}]} {
    %get3A = arith.constant 0 : index
    %get3A_0 = arith.constant 0 : index
    %get3A_1 = arith.constant 0 : index
    %get3A_2 = vector.load %arg1[%get3A, %get3A_0, %get3A_1] : memref<2x2000x128xf32, #tpu.memory_space<vmem>>, vector<1x2000x128xf32>
    %get3A_3 = vector.shape_cast %get3A_2 : vector<1x2000x128xf32> to vector<2000x128xf32>
    %get3A_4 = arith.constant 1 : index
    %get3A_5 = arith.constant 0 : index
    %get3A_6 = arith.constant 0 : index
    %get3A_7 = vector.load %arg1[%get3A_4, %get3A_5, %get3A_6] : memref<2x2000x128xf32, #tpu.memory_space<vmem>>, vector<1x2000x128xf32>
    %get3A_8 = vector.shape_cast %get3A_7 : vector<1x2000x128xf32> to vector<2000x128xf32>
    %add3A = arith.addf %get3A_3, %get3A_8 : vector<2000x128xf32>
    %get3A_9 = arith.constant 0 : index
    %get3A_10 = arith.constant 0 : index
    %get3A_11 = vector.load %arg2[%get3A_9, %get3A_10] : memref<2000x32xf32, #tpu.memory_space<vmem>>, vector<2000x32xf32>
    %reduce_sum3A = arith.constant dense<0.000000e+00> : vector<2000xf32>
    %reduce_sum3A_12 = vector.multi_reduction <add>, %get3A_11, %reduce_sum3A [1] : vector<2000x32xf32> to vector<2000xf32>
    %broadcast_in_dim3A = vector.shape_cast %reduce_sum3A_12 : vector<2000xf32> to vector<2000x1xf32>
    %max3A = arith.constant 1.000000e+00 : f32
    %max3A_13 = vector.broadcast %max3A : f32 to vector<2000x1xf32>
    %max3A_14 = arith.maximumf %broadcast_in_dim3A, %max3A_13 : vector<2000x1xf32>
    %div3A = arith.constant 1.000000e+00 : f32
    %div3A_15 = vector.broadcast %div3A : f32 to vector<2000x1xf32>
    %div3A_16 = arith.divf %div3A_15, %max3A_14 : vector<2000x1xf32>
    %mul3A = vector.broadcast %div3A_16 : vector<2000x1xf32> to vector<2000x128xf32>
    %mul3A_17 = arith.mulf %add3A, %mul3A : vector<2000x128xf32>
    %get3A_18 = arith.constant 0 : index
    %get3A_19 = arith.constant 0 : index
    %get3A_20 = vector.load %arg4[%get3A_18, %get3A_19] : memref<128x128xf32, #tpu.memory_space<vmem>>, vector<128x128xf32>
    %dot_general3A = arith.constant dense<0.000000e+00> : vector<2000x128xf32>
    %dot_general3A_21 = tpu.matmul %mul3A_17, %get3A_20, %dot_general3A {dimension_numbers = #tpu.dot_dimension_numbers<[1], [1], [0], [0], [0, 0, 1, 0], [], []>, precision = #tpu.contract_precision<fp32>, transpose_lhs_hint = false} : vector<2000x128xf32>, vector<128x128xf32>, vector<2000x128xf32> -> vector<2000x128xf32>
    %get3A_22 = arith.constant 0 : index
    %get3A_23 = arith.constant 0 : index
    %get3A_24 = vector.load %arg3[%get3A_22, %get3A_23] : memref<2000x128xf32, #tpu.memory_space<vmem>>, vector<2000x128xf32>
    %get3A_25 = arith.constant 0 : index
    %get3A_26 = arith.constant 0 : index
    %get3A_27 = vector.load %arg6[%get3A_25, %get3A_26] : memref<128x128xf32, #tpu.memory_space<vmem>>, vector<128x128xf32>
    %dot_general3A_28 = arith.constant dense<0.000000e+00> : vector<2000x128xf32>
    %dot_general3A_29 = tpu.matmul %get3A_24, %get3A_27, %dot_general3A_28 {dimension_numbers = #tpu.dot_dimension_numbers<[1], [1], [0], [0], [0, 0, 1, 0], [], []>, precision = #tpu.contract_precision<fp32>, transpose_lhs_hint = false} : vector<2000x128xf32>, vector<128x128xf32>, vector<2000x128xf32> -> vector<2000x128xf32>
    %add3A_30 = arith.addf %dot_general3A_21, %dot_general3A_29 : vector<2000x128xf32>
    %get3A_31 = arith.constant 0 : index
    %get3A_32 = arith.constant 0 : index
    %get3A_33 = vector.load %arg5[%get3A_31, %get3A_32] : memref<1x128xf32, #tpu.memory_space<vmem>>, vector<1x128xf32>
    %add3A_34 = vector.broadcast %get3A_33 : vector<1x128xf32> to vector<2000x128xf32>
    %add3A_35 = arith.addf %add3A_30, %add3A_34 : vector<2000x128xf32>
    %max3A_36 = arith.constant 0.000000e+00 : f32
    %max3A_37 = vector.broadcast %max3A_36 : f32 to vector<2000x128xf32>
    %max3A_38 = arith.maximumf %add3A_35, %max3A_37 : vector<2000x128xf32>
    %swap3A = arith.constant 0 : index
    %swap3A_39 = arith.constant 0 : index
    %swap3A_40 = vector.load %arg7[%swap3A, %swap3A_39] : memref<2000x128xf32, #tpu.memory_space<vmem>>, vector<2000x128xf32>
    tpu.vector_store %arg7[%swap3A, %swap3A_39], %max3A_38 {strides = array<i32>} : memref<2000x128xf32, #tpu.memory_space<vmem>>, vector<2000x128xf32>,
    return
  }
  func.func @transform_0(%arg0: i32) -> (i32, i32, i32) {
    %c0_i32 = arith.constant 0 : i32
    %c0_i32_0 = arith.constant 0 : i32
    %c0_i32_1 = arith.constant 0 : i32
    return %c0_i32, %arg0, %c0_i32_0 : i32, i32, i32
  }
  func.func @transform_1(%arg0: i32) -> (i32, i32) {
    %c0_i32 = arith.constant 0 : i32
    %c0_i32_0 = arith.constant 0 : i32
    return %arg0, %c0_i32 : i32, i32
  }
  func.func @transform_2(%arg0: i32) -> (i32, i32) {
    %c0_i32 = arith.constant 0 : i32
    %c0_i32_0 = arith.constant 0 : i32
    return %arg0, %c0_i32 : i32, i32
  }
  func.func @transform_3(%arg0: i32) -> (i32, i32) {
    %c0_i32 = arith.constant 0 : i32
    %c0_i32_0 = arith.constant 0 : i32
    %c0_i32_1 = arith.constant 0 : i32
    return %c0_i32, %c0_i32_0 : i32, i32
  }
  func.func @transform_4(%arg0: i32) -> (i32, i32) {
    %c0_i32 = arith.constant 0 : i32
    %c0_i32_0 = arith.constant 0 : i32
    %c0_i32_1 = arith.constant 0 : i32
    return %c0_i32, %c0_i32_0 : i32, i32
  }
  func.func @transform_5(%arg0: i32) -> (i32, i32) {
    %c0_i32 = arith.constant 0 : i32
    %c0_i32_0 = arith.constant 0 : i32
    %c0_i32_1 = arith.constant 0 : i32
    return %c0_i32, %c0_i32_0 : i32, i32
  }
  func.func @transform_6(%arg0: i32) -> (i32, i32) {
    %c0_i32 = arith.constant 0 : i32
    %c0_i32_0 = arith.constant 0 : i32
    return %arg0, %c0_i32 : i32, i32
  }
}

</mosaic_0001>

<sc_bundles>
// kernel: kernel.10.cloned.1.call-start
scs
__scs_entry_jumppad:
0x0: {  	(pc) =	sbr.rel $0x88, $3  }
0x1: {  	(tag) =	ssettag $0x0;
	lr =	simm.s32 $0x1  }
0x2: {  	[smem:$0x3F99] =	sst lr;
	_ =	strace $0xD0000000  }
0x3: {  	_ = 	snop  }
0x4: {  	_ = 	snop  }
0x5: {  	_ = 	snop  }
0x6: {  	_ = 	snop  }
0x7: {  	_ = 	snop  }
__scs_overlays_trampoline_lowered:
0x8: {  	[smem:$0x3FA8] =	sst s0  }
0x9: {  	[smem:$0x3FA9] =	sst s1  }
0xa: {  	[smem:$0x3FAA] =	sst s2  }
0xb: {  	[smem:$0x3FAB] =	sst s3  }
0xc: {  	[smem:$0x3FAC] =	sst s4  }
0xd: {  	[smem:$0x3FAD] =	sst s5  }
0xe: {  	[smem:$0x3FAE] =	sst s6  }
0xf: {  	[smem:$0x3FAF] =	sst s7  }
0x10: {  	[smem:$0x3FB0] =	sst s8  }
0x11: {  	[smem:$0x3FB1] =	sst s9;
	s0 =	simm.s32 @!p0 $0x0  }
0x12: {  	s1 =	sld [smem:$0x3F97];
	s0 =	simm.s32 @p0 $0x1  }
0x13: {  	[smem:$0x3FB2] =	sst s0;
	s0 =	simm.s32 @!p1 $0x0  }
0x14: {  	s2 =	sld [smem:$0x3F96];
	s0 =	simm.s32 @p1 $0x1  }
0x15: {  	[smem:$0x3FB3] =	sst s0;
	s0 =	simm.s32 @!p2 $0x0  }
0x16: {  	s3 =	sld [smem:$0x3FDB];
	s0 =	simm.s32 @p2 $0x1  }
0x17: {  	s4 =	simm.s32 $0x1BF5;
	[smem:$0x3FB5] =	sst s0  }
0x18: {  	s0 =	sld [smem:$0x3F98];
	_ =	swait.ge [sflag:s4], $0x0  }
0x19: {  	s7 =	sld [smem:$0x3F99]  }
0x1a: {  	s8 =	sadd.s32 $0xFFFFE003, lr  }
0x1b: {  	s9 =	sadd.s32 $0xFFFFFEF7, lr;
	s5 =	simm.s32 $0xFFFFFFFF;
	p2 =	slt.u32 s8, $0xFFFFF086  }
0x1c: {  	p1 =	slt.u32 s9, $0xF7A;
	s5 =	simm.s32 @!p2 $0x0  }
0x1d: {  	s5 =	simm.s32 @p1 $0x1;
	p0 =	seq.s32 s7, s2  }
0x1e: {  	s7 =	smul.u32 @!p0 $0xF7A, s2;
	p2 =	seq.s32 @!p0 s5, $0x0  }
0x1f: {  	s9 =	smul.u32 $0xF7A, s1;
	s8 =	simm.s32 @!p0 $0x1BF5;
	p2 =	por !p2, p0  }
0x20: {  	[sflag:s8] =	ssyncset.s32 @!p0 $0xFFFFF086;
	s6 =	sadd.s32 @!p0 s3, s7;
	s7 =	simm.s32 @!p0 $0x108  }
0x21: {  	s3 =	sadd.s32 s3, s9;
	s6 =	sadd.s32 @!p0 $0x88, s6;
	s7 =	simm.s32 @p2 $0x1082  }
0x22: {  	[simem:s7], [sflag:s8] =	dma.local @!p0 [hbm:s6], $0xF7A  }
0x23: {  	s9 =	sor.u32 $0xD0000000, s2;
	s6 =	simm.s32 $0x108;
	_ =	swait.ge @!p0 [sflag:s8], $0x0  }
0x24: {  	s3 =	sadd.s32 $0x88, s3;
	s6 =	simm.s32 @!p1 $0x1082;
	[sflag:s4] =	ssyncset.s32 $0xFFFFF086  }
0x25: {  	[simem:s6], [sflag:s4] =	dma.local [hbm:s3], $0xF7A  }
0x26: {  	[smem:$0x3F99] =	sst s1;
	(tag) =	ssettag s2;
	_ =	strace s9  }
0x27: {  	s1 =	sld [smem:$0x3FA9]  }
0x28: {  	s2 =	sld [smem:$0x3FAA]  }
0x29: {  	s4 =	sld [smem:$0x3FAC]  }
0x2a: {  	p0 =	seq.s32 s5, $0x0;
	s5 =	sld [smem:$0x3FAD]  }
0x2b: {  	s6 =	sld [smem:$0x3FAE]  }
0x2c: {  	s7 =	sld [smem:$0x3FAF]  }
0x2d: {  	s3 =	simm.s32 $0x108;
	s8 =	sld [smem:$0x3FB0]  }
0x2e: {  	s3 =	simm.s32 @!p0 $0x1082;
	s9 =	sld [smem:$0x3FB1]  }
0x2f: {  	lr =	sadd.s32 s0, s3;
	s0 =	sld [smem:$0x3FA8]  }
0x30: {  	s3 =	sld [smem:$0x3FAB]  }
0x31: {  	[smem:$0x3FB4] =	sst s10  }
0x32: {  	s10 =	sld [smem:$0x3FB2];
	_ =	sdelay $0x3  }
0x33: {  	p0 =	seq.s32 s10, $0x1;
	s10 =	sld [smem:$0x3FB4];
	_ =	sdelay $0x3  }
0x34: {  	[smem:$0x3FB4] =	sst s10  }
0x35: {  	s10 =	sld [smem:$0x3FB3];
	_ =	sdelay $0x3  }
0x36: {  	p1 =	seq.s32 s10, $0x1;
	s10 =	sld [smem:$0x3FB4];
	_ =	sdelay $0x3  }
0x37: {  	[smem:$0x3FB4] =	sst s10  }
0x38: {  	s10 =	sld [smem:$0x3FB5]  }
0x39: {  	_ = 	snop;
	(pc) =	sbr.ind lr, $3  }
0x3a: {  	_ = 	snop  }
0x3b: {  	_ = 	snop  }
0x3c: {  	p2 =	seq.s32 s10, $0x1;
	s10 =	sld [smem:$0x3FB4]  }
0x3d: {  	_ =	shalt  }
0x3e: {  	_ =	shalt  }
0x3f: {  	_ =	shalt  }
0x40: {  	_ =	shalt  }
0x41: {  	_ =	shalt  }
0x42: {  	_ =	shalt  }
0x43: {  	_ =	shalt  }
0x44: {  	_ =	shalt  }
0x45: {  	_ =	shalt  }
0x46: {  	_ =	shalt  }
0x47: {  	_ =	shalt  }
0x48: {  	_ =	shalt  }
0x49: {  	_ =	shalt  }
0x4a: {  	_ =	shalt  }
0x4b: {  	_ =	shalt  }
0x4c: {  	_ =	shalt  }
0x4d: {  	_ =	shalt  }
0x4e: {  	_ =	shalt  }
0x4f: {  	_ =	shalt  }
0x50: {  	_ =	shalt  }
0x51: {  	_ =	shalt  }
0x52: {  	_ =	shalt  }
0x53: {  	_ =	shalt  }
0x54: {  	_ =	shalt  }
0x55: {  	_ =	shalt  }
0x56: {  	_ =	shalt  }
0x57: {  	_ =	shalt  }
0x58: {  	_ =	shalt  }
0x59: {  	_ =	shalt  }
0x5a: {  	_ =	shalt  }
0x5b: {  	_ =	shalt  }
0x5c: {  	_ =	shalt  }
0x5d: {  	_ =	shalt  }
0x5e: {  	_ =	shalt  }
0x5f: {  	_ =	shalt  }
0x60: {  	_ =	shalt  }
0x61: {  	_ =	shalt  }
0x62: {  	_ =	shalt  }
0x63: {  	_ =	shalt  }
0x64: {  	_ =	shalt  }
0x65: {  	_ =	shalt  }
0x66: {  	_ =	shalt  }
0x67: {  	_ =	shalt  }
0x68: {  	_ =	shalt  }
0x69: {  	_ =	shalt  }
0x6a: {  	_ =	shalt  }
0x6b: {  	_ =	shalt  }
0x6c: {  	_ =	shalt  }
0x6d: {  	_ =	shalt  }
0x6e: {  	_ =	shalt  }
0x6f: {  	_ =	shalt  }
0x70: {  	_ =	shalt  }
0x71: {  	_ =	shalt  }
0x72: {  	_ =	shalt  }
0x73: {  	_ =	shalt  }
0x74: {  	_ =	shalt  }
0x75: {  	_ =	shalt  }
0x76: {  	_ =	shalt  }
0x77: {  	_ =	shalt  }
0x78: {  	_ =	shalt  }
0x79: {  	_ =	shalt  }
0x7a: {  	_ =	shalt  }
0x7b: {  	_ =	shalt  }
0x7c: {  	_ =	shalt  }
0x7d: {  	_ =	shalt  }
0x7e: {  	_ =	shalt  }
0x7f: {  	_ =	shalt  }
0x80: {  	_ =	shalt  }
0x81: {  	_ =	shalt  }
0x82: {  	_ =	shalt  }
0x83: {  	_ =	shalt  }
0x84: {  	_ =	shalt  }
0x85: {  	_ =	shalt  }
0x86: {  	_ =	shalt  }
0x87: {  	_ =	shalt  }
.Lfunc_end0:
.L_simem_size_0:
called_computation.1_lowered:
.L_overlay_start_0:
0x88: {  	s2 =	sld [smem:$0x3FD9]  }
0x89: {  	s3 =	sld [smem:$0x3FFE];
	_ =	sdelay $0x1  }
0x8a: {  	s1 =	srdreg.scid  }
0x8b: {  	s0 =	sand.u32 $0x1, s1  }
0x8c: {  	s17 =	sshll.u32 s0, $0xA;
	s2 =	sadd.s32 s3, s2  }
0x8d: {  	s2 =	sadd.s32 s2, s17  }
0x8e: {  	[smem:$0x3FC0] =	sst s2  }
0x8f: {  	_ = 	snop  }
0x90: {  	s18 =	sld [smem:$0x3FC9];
	(tm) =	ssettm $0x1  }
0x91: {  	s19 =	sld [smem:$0x3FFB];
	_ =	sdelay $0x3  }
0x92: {  	_ =	strace s19  }
0x93: {  	s2 =	sld [smem:$0x3FFC];
	_ =	sdelay $0x3  }
0x94: {  	_ =	strace s2  }
0x95: {  	s2 =	sld [smem:$0x3FFD];
	_ =	sdelay $0x3  }
0x96: {  	_ =	strace s2  }
0x97: {  	_ =	strace $0x8FFFFFFF  }
0x98: {  	s20 =	sld [smem:$0x3FDB];
	_ =	sdelay $0x1  }
0x99: {  	s4 =	simm.s32 $_scs_section_size  }
0x9a: {  	s5 =	simm.s32 $_size__tile_overlayer_lowered;
	s6 =	simm.s32 $_tile_overlayer_lowered  }
0x9b: {  	s7 =	simm.s32 $0x1BFF;
	s21 =	sshll.u32 s6, $0x1;
	s4 =	sadd.s32 s4, s20  }
0x9c: {  	s22 =	simm.s32 $0x0;
	s5 =	sshll.u32 s5, $0x1;
	s6 =	sadd.s32 s21, s4  }
0x9d: {  	[timem:s22], [sflag:s7] =	dma.local [hbm:s6], s5  }
0x9e: {  	_ =	swait.ge [sflag:s7], s5  }
0x9f: {  	s5 =	ssub.s32 $0x0, s5;
	[sflag:s7] =	ssyncset.done $0x0  }
0xa0: {  	[sflag:s7] =	ssyncadd.s32 s5;
	_ =	sdelay $0x1  }
0xa1: {  	s23 =	simm.s32 $0x1B8B  }
0xa2: {  	_ =	swait.ge [sflag:s23], $0x1  }
0xa3: {  	[sflag:s23] =	ssyncset.done $0x0  }
0xa4: {  	[sflag:s23] =	ssyncadd.s32 $0xFFFFFFFF  }
0xa5: {  	s5 =	sld [smem:$0x0]  }
0xa6: {  	s6 =	sand.u32 $0xFFFFFFFE, s1  }
0xa7: {  	p0 =	sne.s32 s1, s6  }
0xa8: {  	s6 =	sshll.u32 @p0 s6, $0xE  }
0xa9: {  	s6 =	sadd.s32 @p0 $0x11B8D, s6;
	s7 =	sshll.u32 @p0 s5, $0x11  }
0xaa: {  	s6 =	sor.u32 @p0 s7, s6  }
0xab: {  	[sflag:s6] =	ssyncadd.remote.s32 @p0 $0x1;
	_ =	sdelay $0x1  }
0xac: {  	s6 =	simm.s32 @p0 $0x1B8D  }
0xad: {  	_ =	swait.eq @p0 [sflag:s6], $0x1  }
0xae: {  	[sflag:s6] =	ssyncadd.s32 @p0 $0xFFFFFFFF  }
0xaf: {  	s7 =	sshll.u32 @!p0 s1, $0xE  }
0xb0: {  	s7 =	sor.u32 @!p0 $0x4000, s7;
	s6 =	simm.s32 @!p0 $0x1B8D  }
0xb1: {  	s5 =	sshll.u32 @!p0 s5, $0x11;
	s7 =	sadd.s32 @!p0 $0x11B8D, s7;
	_ =	swait.eq @!p0 [sflag:s6], $0x1  }
0xb2: {  	s5 =	sor.u32 @!p0 s5, s7;
	[sflag:s6] =	ssyncadd.s32 @!p0 $0xFFFFFFFF  }
0xb3: {  	s25 =	simm.s32 $0x1B8E;
	s24 =	sld [smem:$0x3FFE];
	[sflag:s5] =	ssyncadd.remote.s32 @!p0 $0x1  }
0xb4: {  	s26 =	simm.s32 $execute0_lowered;
	[smem:$0x3FD2] =	sst s25  }
0xb5: {  	s6 =	sshll.u32 s26, $0x1;
	_ =	strace $0x80000049;
	[dreg:$0x1] =	wrdreg $0xFFFFFFFF  }
0xb6: {  	s28 =	simm.s32 $_size_execute0_lowered;
	s4 =	sadd.s32 s4, s6;
	[dreg:$0x0] =	wrdreg $0x0  }
0xb7: {  	s6 =	sshll.u32 s28, $0x1;
	[dreg:$0x2] =	wrdreg s4  }
0xb8: {  	[dreg:$0x3] =	wrdreg s6  }
0xb9: {  	[dreg:$0x4] =	wrdreg $0xC0  }
0xba: {  	_ =	task [dreg:s22], $0x5FFFF  }
0xbb: {  	[dreg:$0x1] =	wrdreg $0xFFFFFFFF  }
0xbc: {  	[dreg:$0x0] =	wrdreg $0x60  }
0xbd: {  	[dreg:$0x2] =	wrdreg s18  }
0xbe: {  	[dreg:$0x3] =	wrdreg s24  }
0xbf: {  	[dreg:$0x4] =	wrdreg $0xB3000  }
0xc0: {  	[dreg:$0x5] =	wrdreg $0xA  }
0xc1: {  	_ =	task.clear_ibuf [dreg:s22], $0x6FFFF;
	_ =	strace $0x90000049  }
0xc2: {  	s29 =	simm.s32 $0xA;
	_ =	strace $0x8000004B  }
0xc3: {  	_ =	swait.ge [sflag:s29], $0x1  }
0xc4: {  	[sflag:s29] =	ssyncadd.s32 $0xFFFFFFFF  }
0xc5: {  	_ =	strace $0x9000004B  }
0xc6: {  	_ =	sfence  }
0xc7: {  	s30 =	sld [smem:$0x0];
	_ =	sdelay $0x2  }
0xc8: {  	s31 =	sshll.u32 s1, $0xD;
	s1 =	sshrl.u32 s1, $0x2  }
0xc9: {  	s4 =	sand.u32 $0x4000, s31;
	s1 =	sadd.s32 s1, s30  }
0xca: {  	s0 =	sor.u32 s4, s0;
	s1 =	sshll.u32 s1, $0x11  }
0xcb: {  	s0 =	sor.u32 s1, s0  }
0xcc: {  	s0 =	sadd.s32 $0x8F2B, s0  }
0xcd: {  	[sflag:s0] =	ssyncadd.remote.s32 $0x1  }
0xce: {  	_ =	sfence.sel $0xFFFF  }
0xcf: {  	[dreg:$0x0] =	wrdreg $0xFFFFFFFF;
	(pc) =	sbr.abs _section_cstart, $3  }
0xd0: {  	[dreg:$0x1] =	wrdreg $0xFFFFFFFF  }
0xd1: {  	_ =	task.clear_ibuf [dreg:s22], $0x2FFFF;
	_ =	strace $0x9FFFFFFF  }
0xd2: {  	(tm) =	ssettm $0x7FFFFFFF  }
0xd3: {  	_ =	shalt  }
tec
execute0_lowered:
.L_overlay_start_1:
0x0: {  	(tag) =	ssettag $0x1  }
0x1: {  	s1 =	rddreg [dreg:$0x0]  }
0x2: {  	s0 =	srdreg.scid;
	s5 =	rddreg [dreg:$0x1]  }
0x3: {  	s9 =	stileid.u32;
	s3 =	rddreg [dreg:$0x2]  }
0x4: {  	s4 =	simm.s32 $0x0;
	s13 =	simm.s32 $0x2780;
	s14 =	simm.s32 $0x1  }
0x5: {  	s15 =	simm.s32 $0x2;
	s16 =	simm.s32 $0x3;
	s17 =	simm.s32 $0x28  }
0x6: {  	s18 =	simm.s32 $0x4F00;
	s19 =	simm.s32 $0x6300;
	s21 =	simm.s32 $0x7700  }
0x7: {  	s23 =	simm.s32 $0x8B00;
	s25 =	simm.s32 $0x9F00;
	s31 =	simm.s32 $0x4  }
0x8: {  	s20 =	simm.s32 $0x5;
	s28 =	simm.s32 $0x0;
	s6 =	smul.u32 $0x13C00, s9  }
0x9: {  	s0 =	sand.u32 $0x1, s0;
	[smem:$0x7FF] =	sst s4;
	s26 =	smul.u32 $0x4F000, s9  }
0xa: {  	s2 =	sshll.u32 s0, $0x4;
	s7 =	smul.u32 $0x13C000, s0;
	_ =	strace $0x8000004A  }
0xb: {  	s0 =	ssub.s32 $0x2, s0;
	s2 =	sor.u32 s9, s2;
	s8 =	sshrl.u32 s6, $0x3  }
0xc: {  	s29 =	sshrl.u32 s0, $0x1;
	s30 =	sshrl.u32 s26, $0x2;
	s26 =	simm.s32 $0x6  }
0xd: {  	s2 =	smul.u32 $0x2780, s2;
	s6 =	sadd.s32 s6, s7;
	s8 =	sadd.s32 s8, s5  }
.Ltmp0:
0xe: {  	s0 =	ssub.s32 s0, s29;
	s12 =	sadd.s32 s30, s3;
	(pc) =	sbr.rel .LBB2_1-.Ltmp0, $4  }
0xf: {  	s6 =	sshrl.u32 s6, $0x3;
	s11 =	smax.u32 s0, $0x1;
	s12 =	sshrl.u32 s12, $0x3  }
0x10: {  	s2 =	sshrl.u32 s2, $0x3;
	s10 =	sadd.s32 s6, s5;
	s6 =	sadd.s32 $0x16200, s8  }
0x11: {  	s2 =	sadd.s32 s2, s5;
	s5 =	sshll.u32 s9, $0x6;
	s10 =	sadd.s32 $0x3DA00, s10  }
0x12: {  	s7 =	sor.u32 $0x1C01, s5;
	s8 =	sadd.s32 $0x2600, s2;
	s9 =	sadd.s32 $0xC400, s2  }
.LBB2_4:
0x13: {  	_ =	swait.ge [sflag:s20], $0x1400  }
0x14: {  	[sflag:s20] =	ssyncset.done $0x0  }
0x15: {  	[sflag:s20] =	ssyncadd.s32 $0xFFFFEC00  }
0x16: {  	[spmem:s3] =	stream.indirect.scatter.add.f32 [tilespmem:s25], [sflag:$0x5], $0x80, s2, s17, $0xb8;
	[tilespmem:$0x1EF00] =	vst v63  }
0x17: {  	_ =	swait.ge [sflag:s14], $0x1400  }
0x18: {  	[sflag:s14] =	ssyncset.done $0x0  }
0x19: {  	[sflag:s14] =	ssyncadd.s32 $0xFFFFEC00  }
0x1a: {  	_ =	swait.ge [sflag:s15], $0x1400  }
0x1b: {  	[sflag:s15] =	ssyncset.done $0x0  }
0x1c: {  	[sflag:s15] =	ssyncadd.s32 $0xFFFFEC00  }
0x1d: {  	_ =	swait.ge [sflag:s16], $0x1400  }
0x1e: {  	[sflag:s16] =	ssyncset.done $0x0  }
0x1f: {  	[sflag:s16] =	ssyncadd.s32 $0xFFFFEC00  }
0x20: {  	_ =	swait.ge [sflag:s31], $0x1400  }
0x21: {  	[sflag:s31] =	ssyncset.done $0x0  }
0x22: {  	[sflag:s31] =	ssyncadd.s32 $0xFFFFEC00  }
0x23: {  	_ =	swait.ge [sflag:s20], $0x1400  }
0x24: {  	s28 =	sadd.s32 $0x1, s28;
	[sflag:s20] =	ssyncset.done $0x0  }
0x25: {  	p0 =	sne.s32 s28, s11;
	[sflag:s20] =	ssyncadd.s32 $0xFFFFEC00  }
.Ltmp1:
0x26: {  	s0 =	sor.u32 $0x1C06, s5;
	[bflag:$0x0] =	sbarrier.arrive $0xFFFF;
	(pc) =	sbr.rel @!p0 .LBB2_5-.Ltmp1, $4  }
0x27: {  	[hbm:s10], [sflag:s0] =	dma.local [spmem:s12], $0x2780  }
0x28: {  	_ =	swait.ge [sflag:s26], $0x2780  }
0x29: {  	[sflag:s26] =	ssyncset.done $0x0  }
0x2a: {  	[sflag:s26] =	ssyncadd.s32 $0xFFFFD880  }
.LBB2_1:
0x2b: {  	[spmem:s12], [sflag:s7] =	dma.local [hbm:s6], $0x2780  }
0x2c: {  	[tilespmem:s4], [sflag:$0x2] =	stream.linear.gather [hbm4b:s8+s4], $0x2780, $0x38;
	[tilespmem:$0x1EF00] =	vst v63  }
0x2d: {  	_ = 	snop  }
0x2e: {  	[tilespmem:s13], [sflag:$0x3] =	stream.linear.gather [hbm4b:s9+s4], $0x2780, $0x38;
	[tilespmem:$0x1EF00] =	vst v63  }
0x2f: {  	_ =	swait.ge [sflag:s14], $0x2780  }
0x30: {  	[sflag:s14] =	ssyncset.done $0x0  }
0x31: {  	[sflag:s14] =	ssyncadd.s32 $0xFFFFD880  }
0x32: {  	_ =	swait.ge [sflag:s15], $0x2780  }
0x33: {  	[sflag:s15] =	ssyncset.done $0x0  }
0x34: {  	[sflag:s15] =	ssyncadd.s32 $0xFFFFD880  }
0x35: {  	_ =	swait.ge [sflag:s16], $0x2780  }
0x36: {  	[sflag:s16] =	ssyncset.done $0x0  }
0x37: {  	[sflag:s16] =	ssyncadd.s32 $0xFFFFD880  }
0x38: {  	[bflag:$0x0] =	sbarrier.arrive $0xFFFF  }
0x39: {  	[tilespmem:s18], [sflag:$0x1] =	stream.indirect.gather [hbm4b:s1+s17], $0x80, s4, s17, $0xb8;
	[tilespmem:$0x1EF00] =	vst v63  }
0x3a: {  	_ = 	snop  }
0x3b: {  	[tilespmem:s19], [sflag:$0x2] =	stream.indirect.gather [hbm4b:s1+s17], $0x80, s17, s17, $0xb8;
	[tilespmem:$0x1EF00] =	vst v63  }
0x3c: {  	s0 =	simm.s32 $0x50  }
0x3d: {  	[tilespmem:s21], [sflag:$0x3] =	stream.indirect.gather [hbm4b:s1+s17], $0x80, s0, s17, $0xb8;
	[tilespmem:$0x1EF00] =	vst v63  }
0x3e: {  	s24 =	simm.s32 $0x78  }
0x3f: {  	[tilespmem:s23], [sflag:$0x4] =	stream.indirect.gather [hbm4b:s1+s17], $0x80, s24, s17, $0xb8;
	[tilespmem:$0x1EF00] =	vst v63  }
0x40: {  	_ =	swait.ge [sflag:s14], $0x1400  }
0x41: {  	[sflag:s14] =	ssyncset.done $0x0  }
0x42: {  	[sflag:s14] =	ssyncadd.s32 $0xFFFFEC00  }
0x43: {  	[spmem:s3] =	stream.indirect.scatter.add.f32 [tilespmem:s18], [sflag:$0x1], $0x80, s13, s17, $0xb8;
	[tilespmem:$0x1EF00] =	vst v63  }
0x44: {  	s30 =	simm.s32 $0xA0  }
0x45: {  	[tilespmem:s25], [sflag:$0x5] =	stream.indirect.gather [hbm4b:s1+s17], $0x80, s30, s17, $0xb8;
	[tilespmem:$0x1EF00] =	vst v63  }
0x46: {  	_ =	swait.ge [sflag:s15], $0x1400  }
0x47: {  	[sflag:s15] =	ssyncset.done $0x0  }
0x48: {  	s2 =	simm.s32 $0x27A8;
	[sflag:s15] =	ssyncadd.s32 $0xFFFFEC00  }
0x49: {  	[spmem:s3] =	stream.indirect.scatter.add.f32 [tilespmem:s19], [sflag:$0x2], $0x80, s2, s17, $0xb8;
	[tilespmem:$0x1EF00] =	vst v63  }
0x4a: {  	_ =	swait.ge [sflag:s14], $0x1400  }
0x4b: {  	[sflag:s14] =	ssyncset.done $0x0  }
0x4c: {  	s22 =	simm.s32 $0xC8;
	[sflag:s14] =	ssyncadd.s32 $0xFFFFEC00  }
0x4d: {  	[tilespmem:s18], [sflag:$0x1] =	stream.indirect.gather [hbm4b:s1+s17], $0x80, s22, s17, $0xb8;
	[tilespmem:$0x1EF00] =	vst v63  }
0x4e: {  	_ =	swait.ge [sflag:s16], $0x1400  }
0x4f: {  	[sflag:s16] =	ssyncset.done $0x0  }
0x50: {  	s24 =	simm.s32 $0x27D0;
	[sflag:s16] =	ssyncadd.s32 $0xFFFFEC00  }
0x51: {  	[spmem:s3] =	stream.indirect.scatter.add.f32 [tilespmem:s21], [sflag:$0x3], $0x80, s24, s17, $0xb8;
	[tilespmem:$0x1EF00] =	vst v63  }
0x52: {  	_ =	swait.ge [sflag:s15], $0x1400  }
0x53: {  	[sflag:s15] =	ssyncset.done $0x0  }
0x54: {  	s30 =	simm.s32 $0xF0;
	[sflag:s15] =	ssyncadd.s32 $0xFFFFEC00  }
0x55: {  	[tilespmem:s19], [sflag:$0x2] =	stream.indirect.gather [hbm4b:s1+s17], $0x80, s30, s17, $0xb8;
	[tilespmem:$0x1EF00] =	vst v63  }
0x56: {  	_ =	swait.ge [sflag:s31], $0x1400  }
0x57: {  	[sflag:s31] =	ssyncset.done $0x0  }
0x58: {  	s2 =	simm.s32 $0x27F8;
	[sflag:s31] =	ssyncadd.s32 $0xFFFFEC00  }
0x59: {  	[spmem:s3] =	stream.indirect.scatter.add.f32 [tilespmem:s23], [sflag:$0x4], $0x80, s2, s17, $0xb8;
	[tilespmem:$0x1EF00] =	vst v63  }
0x5a: {  	_ =	swait.ge [sflag:s16], $0x1400  }
0x5b: {  	[sflag:s16] =	ssyncset.done $0x0  }
0x5c: {  	s22 =	simm.s32 $0x118;
	[sflag:s16] =	ssyncadd.s32 $0xFFFFEC00  }
0x5d: {  	[tilespmem:s21], [sflag:$0x3] =	stream.indirect.gather [hbm4b:s1+s17], $0x80, s22, s17, $0xb8;
	[tilespmem:$0x1EF00] =	vst v63  }
0x5e: {  	_ =	swait.ge [sflag:s20], $0x1400  }
0x5f: {  	[sflag:s20] =	ssyncset.done $0x0  }
0x60: {  	s24 =	simm.s32 $0x2820;
	[sflag:s20] =	ssyncadd.s32 $0xFFFFEC00  }
0x61: {  	[spmem:s3] =	stream.indirect.scatter.add.f32 [tilespmem:s25], [sflag:$0x5], $0x80, s24, s17, $0xb8;
	[tilespmem:$0x1EF00] =	vst v63  }
0x62: {  	_ =	swait.ge [sflag:s31], $0x1400  }
0x63: {  	[sflag:s31] =	ssyncset.done $0x0  }
0x64: {  	s29 =	simm.s32 $0x0;
	s30 =	simm.s32 $0x140;
	[sflag:s31] =	ssyncadd.s32 $0xFFFFEC00  }
0x65: {  	[tilespmem:s23], [sflag:$0x4] =	stream.indirect.gather [hbm4b:s1+s17], $0x80, s30, s17, $0xb8;
	[tilespmem:$0x1EF00] =	vst v63  }
.LBB2_2:
0x66: {  	_ =	swait.ge [sflag:s14], $0x1400  }
0x67: {  	s30 =	sshra.s32 s29, $0x2;
	[sflag:s14] =	ssyncset.done $0x0  }
0x68: {  	s2 =	sadd.s32 $0x2848, s30;
	[sflag:s14] =	ssyncadd.s32 $0xFFFFEC00  }
0x69: {  	[spmem:s3] =	stream.indirect.scatter.add.f32 [tilespmem:s18], [sflag:$0x1], $0x80, s2, s17, $0xb8;
	[tilespmem:$0x1EF00] =	vst v63  }
0x6a: {  	_ =	swait.ge [sflag:s20], $0x1400  }
0x6b: {  	[sflag:s20] =	ssyncset.done $0x0  }
0x6c: {  	s0 =	sadd.s32 $0x168, s30;
	[sflag:s20] =	ssyncadd.s32 $0xFFFFEC00  }
0x6d: {  	[tilespmem:s25], [sflag:$0x5] =	stream.indirect.gather [hbm4b:s1+s17], $0x80, s0, s17, $0xb8;
	[tilespmem:$0x1EF00] =	vst v63  }
0x6e: {  	_ =	swait.ge [sflag:s15], $0x1400  }
0x6f: {  	p0 =	seq.s32 s29, $0x9600;
	[sflag:s15] =	ssyncset.done $0x0  }
0x70: {  	s22 =	sadd.s32 $0x2870, s30;
	s2 =	simm.s32 @p0 $0x3;
	[sflag:s15] =	ssyncadd.s32 $0xFFFFEC00  }
0x71: {  	[spmem:s3] =	stream.indirect.scatter.add.f32 [tilespmem:s19], [sflag:$0x2], $0x80, s22, s17, $0xb8;
	[tilespmem:$0x1EF00] =	vst v63  }
0x72: {  	_ =	swait.ge @p0 [sflag:s2], $0x1400  }
0x73: {  	[sflag:s2] =	ssyncset.done @p0 $0x0  }
0x74: {  	[sflag:s2] =	ssyncadd.s32 @p0 $0xFFFFEC00;
	s2 =	sshra.s32 @p0 s29, $0x2  }
0x75: {  	s0 =	simm.s32 @p0 $0x28;
	s22 =	simm.s32 @p0 $0x7700;
	s2 =	sadd.s32 @p0 $0x2898, s2  }
0x76: {  	[spmem:s3] =	stream.indirect.scatter.add.f32 @p0 [tilespmem:s22], [sflag:$0x3], $0x80, s2, s0, $0xb8;
	[tilespmem:$0x1EF00] =	vst v63  }
0x77: {  	s0 =	simm.s32 @!p0 $0x1  }
0x78: {  	_ =	swait.ge @!p0 [sflag:s0], $0x1400  }
0x79: {  	[sflag:s0] =	ssyncset.done @!p0 $0x0  }
0x7a: {  	[sflag:s0] =	ssyncadd.s32 @!p0 $0xFFFFEC00;
	s0 =	sshra.s32 @!p0 s29, $0x2  }
0x7b: {  	s24 =	simm.s32 @!p0 $0x4F00;
	s22 =	simm.s32 @!p0 $0x28;
	s2 =	sadd.s32 @!p0 $0x190, s0  }
0x7c: {  	[tilespmem:s24], [sflag:$0x1] =	stream.indirect.gather @!p0 [hbm4b:s1+s22], $0x80, s2, s22, $0xb8;
	[tilespmem:$0x1EF00] =	vst v63  }
0x7d: {  	s2 =	simm.s32 @!p0 $0x3  }
0x7e: {  	_ =	swait.ge @!p0 [sflag:s2], $0x1400  }
0x7f: {  	[sflag:s2] =	ssyncset.done @!p0 $0x0  }
0x80: {  	s24 =	simm.s32 @!p0 $0x7700;
	[sflag:s2] =	ssyncadd.s32 @!p0 $0xFFFFEC00;
	s2 =	sadd.s32 @!p0 $0x2898, s0  }
0x81: {  	[spmem:s3] =	stream.indirect.scatter.add.f32 @!p0 [tilespmem:s24], [sflag:$0x3], $0x80, s2, s22, $0xb8;
	[tilespmem:$0x1EF00] =	vst v63  }
0x82: {  	s2 =	simm.s32 @!p0 $0x2  }
0x83: {  	_ =	swait.ge @!p0 [sflag:s2], $0x1400  }
0x84: {  	[sflag:s2] =	ssyncset.done @!p0 $0x0  }
0x85: {  	s0 =	sadd.s32 @!p0 $0x1B8, s0;
	[sflag:s2] =	ssyncadd.s32 @!p0 $0xFFFFEC00;
	s2 =	simm.s32 @!p0 $0x6300  }
0x86: {  	[tilespmem:s2], [sflag:$0x2] =	stream.indirect.gather @!p0 [hbm4b:s1+s22], $0x80, s0, s22, $0xb8;
	[tilespmem:$0x1EF00] =	vst v63  }
.Ltmp2:
0x87: {  	_ = 	snop;
	(pc) =	sbr.rel @p0 .LBB2_4-.Ltmp2, $4  }
0x88: {  	_ =	swait.ge [sflag:s31], $0x1400  }
0x89: {  	[sflag:s31] =	ssyncset.done $0x0  }
0x8a: {  	s24 =	sadd.s32 $0x28C0, s30;
	s2 =	sadd.s32 $0x28E8, s30;
	[sflag:s31] =	ssyncadd.s32 $0xFFFFEC00  }
0x8b: {  	[spmem:s3] =	stream.indirect.scatter.add.f32 [tilespmem:s23], [sflag:$0x4], $0x80, s24, s17, $0xb8;
	[tilespmem:$0x1EF00] =	vst v63  }
0x8c: {  	_ =	swait.ge [sflag:s16], $0x1400  }
0x8d: {  	[sflag:s16] =	ssyncset.done $0x0  }
0x8e: {  	s0 =	sadd.s32 $0x1E0, s30;
	[sflag:s16] =	ssyncadd.s32 $0xFFFFEC00  }
0x8f: {  	[tilespmem:s21], [sflag:$0x3] =	stream.indirect.gather [hbm4b:s1+s17], $0x80, s0, s17, $0xb8;
	[tilespmem:$0x1EF00] =	vst v63  }
0x90: {  	_ =	swait.ge [sflag:s20], $0x1400  }
0x91: {  	[sflag:s20] =	ssyncset.done $0x0  }
0x92: {  	[sflag:s20] =	ssyncadd.s32 $0xFFFFEC00  }
0x93: {  	[spmem:s3] =	stream.indirect.scatter.add.f32 [tilespmem:s25], [sflag:$0x5], $0x80, s2, s17, $0xb8;
	[tilespmem:$0x1EF00] =	vst v63  }
.Ltmp3:
0x94: {  	_ = 	snop;
	(pc) =	sbr.rel .LBB2_2-.Ltmp3, $4  }
0x95: {  	_ =	swait.ge [sflag:s31], $0x1400  }
0x96: {  	[sflag:s31] =	ssyncset.done $0x0  }
0x97: {  	s30 =	sadd.s32 $0x208, s30;
	s29 =	sadd.s32 $0x320, s29;
	[sflag:s31] =	ssyncadd.s32 $0xFFFFEC00  }
0x98: {  	[tilespmem:s23], [sflag:$0x4] =	stream.indirect.gather [hbm4b:s1+s17], $0x80, s30, s17, $0xb8;
	[tilespmem:$0x1EF00] =	vst v63  }
.LBB2_5:
0x99: {  	_ =	sfence.sel $0x180000  }
0x9a: {  	[bflag:$0x0] =	sbarrier.arrive $0xFFFF  }
0x9b: {  	_ =	strace $0x9000004A  }
0x9c: {  	s0 =	stileid.u32;
	[bflag:$0x2] =	sbarrier.arrive $0xFFFF  }
0x9d: {  	p0 =	sne.s32 s0, $0x0;
	s0 =	rddreg [dreg:$0x3]  }
0x9e: {  	s0 =	sadd.s32 @!p0 $0x100000, s0  }
0x9f: {  	[sflag:s0] =	ssyncadd.tile.s32 @!p0 $0x1;
	_ =	shalt  }
.Lfunc_end2:
_tile_overlayer_lowered:
.L_overlay_start_2:
0xa0: {  	(tag) =	ssettag $0x2  }
0xa1: {  	s0 =	rddreg [dreg:$0x0];
	s2 =	stileid.u32  }
0xa2: {  	s1 =	rddreg [dreg:$0x1];
	p0 =	sne.s32 s2, $0x0  }
0xa3: {  	s3 =	rddreg [dreg:$0x2];
	[bflag:$0x3] =	sbarrier.arrive $0xFFFF;
	s2 =	simm.s32 @!p0 $0x1C06  }
0xa4: {  	[timem:s3], [sflag:s2] =	dma.local @!p0 [hbm:s0], s1  }
0xa5: {  	s0 =	simm.s32 @!p0 $0x6  }
0xa6: {  	_ =	swait.ge @!p0 [sflag:s0], s1  }
0xa7: {  	s1 =	ssub.s32 @!p0 $0x0, s1;
	[sflag:s0] =	ssyncset.done @!p0 $0x0  }
0xa8: {  	[sflag:s0] =	ssyncadd.s32 @!p0 s1  }
0xa9: {  	[bflag:$0x3] =	sbarrier.arrive $0xFFFF  }
0xaa: {  	_ =	shalt  }

// kernel: kernel.13.cloned.1.call-start
scs
__scs_entry_jumppad:
0x0: {  	(pc) =	sbr.rel $0x88, $3  }
0x1: {  	(tag) =	ssettag $0x0;
	lr =	simm.s32 $0x1  }
0x2: {  	[smem:$0x3F99] =	sst lr;
	_ =	strace $0xD0000000  }
0x3: {  	_ = 	snop  }
0x4: {  	_ = 	snop  }
0x5: {  	_ = 	snop  }
0x6: {  	_ = 	snop  }
0x7: {  	_ = 	snop  }
__scs_overlays_trampoline_lowered:
0x8: {  	[smem:$0x3FA8] =	sst s0  }
0x9: {  	[smem:$0x3FA9] =	sst s1  }
0xa: {  	[smem:$0x3FAA] =	sst s2  }
0xb: {  	[smem:$0x3FAB] =	sst s3  }
0xc: {  	[smem:$0x3FAC] =	sst s4  }
0xd: {  	[smem:$0x3FAD] =	sst s5  }
0xe: {  	[smem:$0x3FAE] =	sst s6  }
0xf: {  	[smem:$0x3FAF] =	sst s7  }
0x10: {  	[smem:$0x3FB0] =	sst s8  }
0x11: {  	[smem:$0x3FB1] =	sst s9;
	s0 =	simm.s32 @!p0 $0x0  }
0x12: {  	s1 =	sld [smem:$0x3F97];
	s0 =	simm.s32 @p0 $0x1  }
0x13: {  	[smem:$0x3FB2] =	sst s0;
	s0 =	simm.s32 @!p1 $0x0  }
0x14: {  	s2 =	sld [smem:$0x3F96];
	s0 =	simm.s32 @p1 $0x1  }
0x15: {  	[smem:$0x3FB3] =	sst s0;
	s0 =	simm.s32 @!p2 $0x0  }
0x16: {  	s3 =	sld [smem:$0x3FDB];
	s0 =	simm.s32 @p2 $0x1  }
0x17: {  	s4 =	simm.s32 $0x1BF5;
	[smem:$0x3FB5] =	sst s0  }
0x18: {  	s0 =	sld [smem:$0x3F98];
	_ =	swait.ge [sflag:s4], $0x0  }
0x19: {  	s7 =	sld [smem:$0x3F99]  }
0x1a: {  	s8 =	sadd.s32 $0xFFFFE003, lr  }
0x1b: {  	s9 =	sadd.s32 $0xFFFFFEF7, lr;
	s5 =	simm.s32 $0xFFFFFFFF;
	p2 =	slt.u32 s8, $0xFFFFF086  }
0x1c: {  	p1 =	slt.u32 s9, $0xF7A;
	s5 =	simm.s32 @!p2 $0x0  }
0x1d: {  	s5 =	simm.s32 @p1 $0x1;
	p0 =	seq.s32 s7, s2  }
0x1e: {  	s7 =	smul.u32 @!p0 $0xF7A, s2;
	p2 =	seq.s32 @!p0 s5, $0x0  }
0x1f: {  	s9 =	smul.u32 $0xF7A, s1;
	s8 =	simm.s32 @!p0 $0x1BF5;
	p2 =	por !p2, p0  }
0x20: {  	[sflag:s8] =	ssyncset.s32 @!p0 $0xFFFFF086;
	s6 =	sadd.s32 @!p0 s3, s7;
	s7 =	simm.s32 @!p0 $0x108  }
0x21: {  	s3 =	sadd.s32 s3, s9;
	s6 =	sadd.s32 @!p0 $0x88, s6;
	s7 =	simm.s32 @p2 $0x1082  }
0x22: {  	[simem:s7], [sflag:s8] =	dma.local @!p0 [hbm:s6], $0xF7A  }
0x23: {  	s9 =	sor.u32 $0xD0000000, s2;
	s6 =	simm.s32 $0x108;
	_ =	swait.ge @!p0 [sflag:s8], $0x0  }
0x24: {  	s3 =	sadd.s32 $0x88, s3;
	s6 =	simm.s32 @!p1 $0x1082;
	[sflag:s4] =	ssyncset.s32 $0xFFFFF086  }
0x25: {  	[simem:s6], [sflag:s4] =	dma.local [hbm:s3], $0xF7A  }
0x26: {  	[smem:$0x3F99] =	sst s1;
	(tag) =	ssettag s2;
	_ =	strace s9  }
0x27: {  	s1 =	sld [smem:$0x3FA9]  }
0x28: {  	s2 =	sld [smem:$0x3FAA]  }
0x29: {  	s4 =	sld [smem:$0x3FAC]  }
0x2a: {  	p0 =	seq.s32 s5, $0x0;
	s5 =	sld [smem:$0x3FAD]  }
0x2b: {  	s6 =	sld [smem:$0x3FAE]  }
0x2c: {  	s7 =	sld [smem:$0x3FAF]  }
0x2d: {  	s3 =	simm.s32 $0x108;
	s8 =	sld [smem:$0x3FB0]  }
0x2e: {  	s3 =	simm.s32 @!p0 $0x1082;
	s9 =	sld [smem:$0x3FB1]  }
0x2f: {  	lr =	sadd.s32 s0, s3;
	s0 =	sld [smem:$0x3FA8]  }
0x30: {  	s3 =	sld [smem:$0x3FAB]  }
0x31: {  	[smem:$0x3FB4] =	sst s10  }
0x32: {  	s10 =	sld [smem:$0x3FB2];
	_ =	sdelay $0x3  }
0x33: {  	p0 =	seq.s32 s10, $0x1;
	s10 =	sld [smem:$0x3FB4];
	_ =	sdelay $0x3  }
0x34: {  	[smem:$0x3FB4] =	sst s10  }
0x35: {  	s10 =	sld [smem:$0x3FB3];
	_ =	sdelay $0x3  }
0x36: {  	p1 =	seq.s32 s10, $0x1;
	s10 =	sld [smem:$0x3FB4];
	_ =	sdelay $0x3  }
0x37: {  	[smem:$0x3FB4] =	sst s10  }
0x38: {  	s10 =	sld [smem:$0x3FB5]  }
0x39: {  	_ = 	snop;
	(pc) =	sbr.ind lr, $3  }
0x3a: {  	_ = 	snop  }
0x3b: {  	_ = 	snop  }
0x3c: {  	p2 =	seq.s32 s10, $0x1;
	s10 =	sld [smem:$0x3FB4]  }
0x3d: {  	_ =	shalt  }
0x3e: {  	_ =	shalt  }
0x3f: {  	_ =	shalt  }
0x40: {  	_ =	shalt  }
0x41: {  	_ =	shalt  }
0x42: {  	_ =	shalt  }
0x43: {  	_ =	shalt  }
0x44: {  	_ =	shalt  }
0x45: {  	_ =	shalt  }
0x46: {  	_ =	shalt  }
0x47: {  	_ =	shalt  }
0x48: {  	_ =	shalt  }
0x49: {  	_ =	shalt  }
0x4a: {  	_ =	shalt  }
0x4b: {  	_ =	shalt  }
0x4c: {  	_ =	shalt  }
0x4d: {  	_ =	shalt  }
0x4e: {  	_ =	shalt  }
0x4f: {  	_ =	shalt  }
0x50: {  	_ =	shalt  }
0x51: {  	_ =	shalt  }
0x52: {  	_ =	shalt  }
0x53: {  	_ =	shalt  }
0x54: {  	_ =	shalt  }
0x55: {  	_ =	shalt  }
0x56: {  	_ =	shalt  }
0x57: {  	_ =	shalt  }
0x58: {  	_ =	shalt  }
0x59: {  	_ =	shalt  }
0x5a: {  	_ =	shalt  }
0x5b: {  	_ =	shalt  }
0x5c: {  	_ =	shalt  }
0x5d: {  	_ =	shalt  }
0x5e: {  	_ =	shalt  }
0x5f: {  	_ =	shalt  }
0x60: {  	_ =	shalt  }
0x61: {  	_ =	shalt  }
0x62: {  	_ =	shalt  }
0x63: {  	_ =	shalt  }
0x64: {  	_ =	shalt  }
0x65: {  	_ =	shalt  }
0x66: {  	_ =	shalt  }
0x67: {  	_ =	shalt  }
0x68: {  	_ =	shalt  }
0x69: {  	_ =	shalt  }
0x6a: {  	_ =	shalt  }
0x6b: {  	_ =	shalt  }
0x6c: {  	_ =	shalt  }
0x6d: {  	_ =	shalt  }
0x6e: {  	_ =	shalt  }
0x6f: {  	_ =	shalt  }
0x70: {  	_ =	shalt  }
0x71: {  	_ =	shalt  }
0x72: {  	_ =	shalt  }
0x73: {  	_ =	shalt  }
0x74: {  	_ =	shalt  }
0x75: {  	_ =	shalt  }
0x76: {  	_ =	shalt  }
0x77: {  	_ =	shalt  }
0x78: {  	_ =	shalt  }
0x79: {  	_ =	shalt  }
0x7a: {  	_ =	shalt  }
0x7b: {  	_ =	shalt  }
0x7c: {  	_ =	shalt  }
0x7d: {  	_ =	shalt  }
0x7e: {  	_ =	shalt  }
0x7f: {  	_ =	shalt  }
0x80: {  	_ =	shalt  }
0x81: {  	_ =	shalt  }
0x82: {  	_ =	shalt  }
0x83: {  	_ =	shalt  }
0x84: {  	_ =	shalt  }
0x85: {  	_ =	shalt  }
0x86: {  	_ =	shalt  }
0x87: {  	_ =	shalt  }
.Lfunc_end0:
.L_simem_size_0:
called_computation.2_lowered:
.L_overlay_start_0:
0x88: {  	s2 =	sld [smem:$0x3FD9]  }
0x89: {  	s3 =	sld [smem:$0x3FFE];
	_ =	sdelay $0x1  }
0x8a: {  	s1 =	srdreg.scid  }
0x8b: {  	s0 =	sand.u32 $0x1, s1  }
0x8c: {  	s17 =	sshll.u32 s0, $0xA;
	s2 =	sadd.s32 s3, s2  }
0x8d: {  	s2 =	sadd.s32 s2, s17  }
0x8e: {  	[smem:$0x3FC0] =	sst s2  }
0x8f: {  	_ = 	snop  }
0x90: {  	s2 =	sld [smem:$0x3FD0];
	(tm) =	ssettm $0x1  }
0x91: {  	s18 =	sld [smem:$0x3FFB];
	_ =	sdelay $0x3  }
0x92: {  	_ =	strace s18  }
0x93: {  	s3 =	sld [smem:$0x3FFC];
	_ =	sdelay $0x3  }
0x94: {  	_ =	strace s3  }
0x95: {  	s3 =	sld [smem:$0x3FFD];
	_ =	sdelay $0x3  }
0x96: {  	_ =	strace s3  }
0x97: {  	_ =	strace $0x8FFFFFFF  }
0x98: {  	s19 =	sld [smem:$0x3FDB];
	_ =	sdelay $0x1  }
0x99: {  	s4 =	simm.s32 $_scs_section_size  }
0x9a: {  	s5 =	simm.s32 $_size__tile_overlayer_lowered;
	s6 =	simm.s32 $_tile_overlayer_lowered  }
0x9b: {  	s22 =	simm.s32 $0x1BFF;
	s21 =	sshll.u32 s6, $0x1;
	s3 =	sadd.s32 s4, s19  }
0x9c: {  	s7 =	simm.s32 $0x0;
	s20 =	sshll.u32 s5, $0x1;
	s5 =	sadd.s32 s21, s3  }
0x9d: {  	[timem:s7], [sflag:s22] =	dma.local [hbm:s5], s20  }
0x9e: {  	_ =	swait.ge [sflag:s22], s20  }
0x9f: {  	s4 =	ssub.s32 $0x0, s20;
	[sflag:s22] =	ssyncset.done $0x0  }
0xa0: {  	[sflag:s22] =	ssyncadd.s32 s4;
	_ =	sdelay $0x1  }
0xa1: {  	s23 =	simm.s32 $0x1B8B  }
0xa2: {  	_ =	swait.ge [sflag:s23], $0x1  }
0xa3: {  	[sflag:s23] =	ssyncset.done $0x0  }
0xa4: {  	s25 =	simm.s32 $0x1B8E;
	s24 =	sld [smem:$0x3FFE];
	[sflag:s23] =	ssyncadd.s32 $0xFFFFFFFF  }
0xa5: {  	s26 =	simm.s32 $execute0_lowered;
	[smem:$0x3FD2] =	sst s25  }
0xa6: {  	s5 =	sshll.u32 s26, $0x1;
	_ =	strace $0x8000004C;
	[dreg:$0x1] =	wrdreg $0xFFFFFFFF  }
0xa7: {  	s28 =	simm.s32 $_size_execute0_lowered;
	s3 =	sadd.s32 s3, s5;
	[dreg:$0x0] =	wrdreg $0x0  }
0xa8: {  	s5 =	sshll.u32 s28, $0x1;
	[dreg:$0x2] =	wrdreg s3  }
0xa9: {  	[dreg:$0x3] =	wrdreg s5  }
0xaa: {  	[dreg:$0x4] =	wrdreg $0xC0  }
0xab: {  	_ =	task [dreg:s7], $0x5FFFF  }
0xac: {  	[dreg:$0x1] =	wrdreg $0xFFFFFFFF  }
0xad: {  	[dreg:$0x0] =	wrdreg $0x60  }
0xae: {  	[dreg:$0x2] =	wrdreg s2  }
0xaf: {  	[dreg:$0x3] =	wrdreg s24  }
0xb0: {  	[dreg:$0x4] =	wrdreg $0xB3000  }
0xb1: {  	[dreg:$0x5] =	wrdreg $0x9  }
0xb2: {  	_ =	task.clear_ibuf [dreg:s7], $0x6FFFF;
	_ =	strace $0x9000004C  }
0xb3: {  	s29 =	simm.s32 $0x9;
	_ =	strace $0x8000004E  }
0xb4: {  	_ =	swait.ge [sflag:s29], $0x1  }
0xb5: {  	[sflag:s29] =	ssyncadd.s32 $0xFFFFFFFF  }
0xb6: {  	_ =	strace $0x9000004E  }
0xb7: {  	_ =	sfence  }
0xb8: {  	s30 =	sld [smem:$0x0];
	_ =	sdelay $0x2  }
0xb9: {  	s31 =	sshll.u32 s1, $0xD;
	s1 =	sshrl.u32 s1, $0x2  }
0xba: {  	s3 =	sand.u32 $0x4000, s31;
	s1 =	sadd.s32 s1, s30  }
0xbb: {  	s0 =	sor.u32 s3, s0;
	s1 =	sshll.u32 s1, $0x11  }
0xbc: {  	s0 =	sor.u32 s1, s0  }
0xbd: {  	s0 =	sadd.s32 $0x8F2B, s0  }
0xbe: {  	[sflag:s0] =	ssyncadd.remote.s32 $0x1  }
0xbf: {  	_ =	sfence.sel $0xFFFF  }
0xc0: {  	[dreg:$0x0] =	wrdreg $0xFFFFFFFF;
	(pc) =	sbr.abs _section_cstart, $3  }
0xc1: {  	[dreg:$0x1] =	wrdreg $0xFFFFFFFF  }
0xc2: {  	_ =	task.clear_ibuf [dreg:s7], $0x2FFFF;
	_ =	strace $0x9FFFFFFF  }
0xc3: {  	(tm) =	ssettm $0x7FFFFFFF  }
tec
execute0_lowered:
.L_overlay_start_1:
0x0: {  	(tag) =	ssettag $0x1  }
0x1: {  	s1 =	rddreg [dreg:$0x0]  }
0x2: {  	s0 =	srdreg.scid;
	s5 =	rddreg [dreg:$0x1]  }
0x3: {  	s9 =	stileid.u32;
	s3 =	rddreg [dreg:$0x2]  }
0x4: {  	s4 =	simm.s32 $0x0;
	s13 =	simm.s32 $0x2780;
	s14 =	simm.s32 $0x1  }
0x5: {  	s15 =	simm.s32 $0x2;
	s16 =	simm.s32 $0x3;
	s17 =	simm.s32 $0x28  }
0x6: {  	s18 =	simm.s32 $0x4F00;
	s19 =	simm.s32 $0x6300;
	s21 =	simm.s32 $0x7700  }
0x7: {  	s23 =	simm.s32 $0x8B00;
	s25 =	simm.s32 $0x9F00;
	s31 =	simm.s32 $0x4  }
0x8: {  	s20 =	simm.s32 $0x5;
	s28 =	simm.s32 $0x0;
	s6 =	smul.u32 $0x13C00, s9  }
0x9: {  	s0 =	sand.u32 $0x1, s0;
	[smem:$0x7FF] =	sst s4;
	s26 =	smul.u32 $0x4F000, s9  }
0xa: {  	s2 =	sshll.u32 s0, $0x4;
	s7 =	smul.u32 $0x13C000, s0;
	_ =	strace $0x8000004D  }
0xb: {  	s0 =	ssub.s32 $0x2, s0;
	s2 =	sor.u32 s9, s2;
	s8 =	sshrl.u32 s6, $0x3  }
0xc: {  	s29 =	sshrl.u32 s0, $0x1;
	s30 =	sshrl.u32 s26, $0x2;
	s26 =	simm.s32 $0x6  }
0xd: {  	s2 =	smul.u32 $0x2780, s2;
	s6 =	sadd.s32 s6, s7;
	s8 =	sadd.s32 s8, s5  }
.Ltmp0:
0xe: {  	s0 =	ssub.s32 s0, s29;
	s12 =	sadd.s32 s30, s3;
	(pc) =	sbr.rel .LBB2_1-.Ltmp0, $4  }
0xf: {  	s6 =	sshrl.u32 s6, $0x3;
	s11 =	smax.u32 s0, $0x1;
	s12 =	sshrl.u32 s12, $0x3  }
0x10: {  	s2 =	sshrl.u32 s2, $0x3;
	s10 =	sadd.s32 s6, s5;
	s6 =	sadd.s32 $0x16200, s8  }
0x11: {  	s2 =	sadd.s32 s2, s5;
	s5 =	sshll.u32 s9, $0x6;
	s10 =	sadd.s32 $0x3DA00, s10  }
0x12: {  	s7 =	sor.u32 $0x1C01, s5;
	s8 =	sadd.s32 $0x2600, s2;
	s9 =	sadd.s32 $0xC400, s2  }
.LBB2_4:
0x13: {  	_ =	swait.ge [sflag:s20], $0x1400  }
0x14: {  	[sflag:s20] =	ssyncset.done $0x0  }
0x15: {  	[sflag:s20] =	ssyncadd.s32 $0xFFFFEC00  }
0x16: {  	[spmem:s3] =	stream.indirect.scatter.add.f32 [tilespmem:s25], [sflag:$0x5], $0x80, s2, s17, $0xb8;
	[tilespmem:$0x1EF00] =	vst v63  }
0x17: {  	_ =	swait.ge [sflag:s14], $0x1400  }
0x18: {  	[sflag:s14] =	ssyncset.done $0x0  }
0x19: {  	[sflag:s14] =	ssyncadd.s32 $0xFFFFEC00  }
0x1a: {  	_ =	swait.ge [sflag:s15], $0x1400  }
0x1b: {  	[sflag:s15] =	ssyncset.done $0x0  }
0x1c: {  	[sflag:s15] =	ssyncadd.s32 $0xFFFFEC00  }
0x1d: {  	_ =	swait.ge [sflag:s16], $0x1400  }
0x1e: {  	[sflag:s16] =	ssyncset.done $0x0  }
0x1f: {  	[sflag:s16] =	ssyncadd.s32 $0xFFFFEC00  }
0x20: {  	_ =	swait.ge [sflag:s31], $0x1400  }
0x21: {  	[sflag:s31] =	ssyncset.done $0x0  }
0x22: {  	[sflag:s31] =	ssyncadd.s32 $0xFFFFEC00  }
0x23: {  	_ =	swait.ge [sflag:s20], $0x1400  }
0x24: {  	s28 =	sadd.s32 $0x1, s28;
	[sflag:s20] =	ssyncset.done $0x0  }
0x25: {  	p0 =	sne.s32 s28, s11;
	[sflag:s20] =	ssyncadd.s32 $0xFFFFEC00  }
.Ltmp1:
0x26: {  	s0 =	sor.u32 $0x1C06, s5;
	[bflag:$0x0] =	sbarrier.arrive $0xFFFF;
	(pc) =	sbr.rel @!p0 .LBB2_5-.Ltmp1, $4  }
0x27: {  	[hbm:s10], [sflag:s0] =	dma.local [spmem:s12], $0x2780  }
0x28: {  	_ =	swait.ge [sflag:s26], $0x2780  }
0x29: {  	[sflag:s26] =	ssyncset.done $0x0  }
0x2a: {  	[sflag:s26] =	ssyncadd.s32 $0xFFFFD880  }
.LBB2_1:
0x2b: {  	[spmem:s12], [sflag:s7] =	dma.local [hbm:s6], $0x2780  }
0x2c: {  	[tilespmem:s4], [sflag:$0x2] =	stream.linear.gather [hbm4b:s8+s4], $0x2780, $0x38;
	[tilespmem:$0x1EF00] =	vst v63  }
0x2d: {  	_ = 	snop  }
0x2e: {  	[tilespmem:s13], [sflag:$0x3] =	stream.linear.gather [hbm4b:s9+s4], $0x2780, $0x38;
	[tilespmem:$0x1EF00] =	vst v63  }
0x2f: {  	_ =	swait.ge [sflag:s14], $0x2780  }
0x30: {  	[sflag:s14] =	ssyncset.done $0x0  }
0x31: {  	[sflag:s14] =	ssyncadd.s32 $0xFFFFD880  }
0x32: {  	_ =	swait.ge [sflag:s15], $0x2780  }
0x33: {  	[sflag:s15] =	ssyncset.done $0x0  }
0x34: {  	[sflag:s15] =	ssyncadd.s32 $0xFFFFD880  }
0x35: {  	_ =	swait.ge [sflag:s16], $0x2780  }
0x36: {  	[sflag:s16] =	ssyncset.done $0x0  }
0x37: {  	[sflag:s16] =	ssyncadd.s32 $0xFFFFD880  }
0x38: {  	[bflag:$0x0] =	sbarrier.arrive $0xFFFF  }
0x39: {  	[tilespmem:s18], [sflag:$0x1] =	stream.indirect.gather [hbm4b:s1+s17], $0x80, s4, s17, $0xb8;
	[tilespmem:$0x1EF00] =	vst v63  }
0x3a: {  	_ = 	snop  }
0x3b: {  	[tilespmem:s19], [sflag:$0x2] =	stream.indirect.gather [hbm4b:s1+s17], $0x80, s17, s17, $0xb8;
	[tilespmem:$0x1EF00] =	vst v63  }
0x3c: {  	s0 =	simm.s32 $0x50  }
0x3d: {  	[tilespmem:s21], [sflag:$0x3] =	stream.indirect.gather [hbm4b:s1+s17], $0x80, s0, s17, $0xb8;
	[tilespmem:$0x1EF00] =	vst v63  }
0x3e: {  	s24 =	simm.s32 $0x78  }
0x3f: {  	[tilespmem:s23], [sflag:$0x4] =	stream.indirect.gather [hbm4b:s1+s17], $0x80, s24, s17, $0xb8;
	[tilespmem:$0x1EF00] =	vst v63  }
0x40: {  	_ =	swait.ge [sflag:s14], $0x1400  }
0x41: {  	[sflag:s14] =	ssyncset.done $0x0  }
0x42: {  	[sflag:s14] =	ssyncadd.s32 $0xFFFFEC00  }
0x43: {  	[spmem:s3] =	stream.indirect.scatter.add.f32 [tilespmem:s18], [sflag:$0x1], $0x80, s13, s17, $0xb8;
	[tilespmem:$0x1EF00] =	vst v63  }
0x44: {  	s30 =	simm.s32 $0xA0  }
0x45: {  	[tilespmem:s25], [sflag:$0x5] =	stream.indirect.gather [hbm4b:s1+s17], $0x80, s30, s17, $0xb8;
	[tilespmem:$0x1EF00] =	vst v63  }
0x46: {  	_ =	swait.ge [sflag:s15], $0x1400  }
0x47: {  	[sflag:s15] =	ssyncset.done $0x0  }
0x48: {  	s2 =	simm.s32 $0x27A8;
	[sflag:s15] =	ssyncadd.s32 $0xFFFFEC00  }
0x49: {  	[spmem:s3] =	stream.indirect.scatter.add.f32 [tilespmem:s19], [sflag:$0x2], $0x80, s2, s17, $0xb8;
	[tilespmem:$0x1EF00] =	vst v63  }
0x4a: {  	_ =	swait.ge [sflag:s14], $0x1400  }
0x4b: {  	[sflag:s14] =	ssyncset.done $0x0  }
0x4c: {  	s22 =	simm.s32 $0xC8;
	[sflag:s14] =	ssyncadd.s32 $0xFFFFEC00  }
0x4d: {  	[tilespmem:s18], [sflag:$0x1] =	stream.indirect.gather [hbm4b:s1+s17], $0x80, s22, s17, $0xb8;
	[tilespmem:$0x1EF00] =	vst v63  }
0x4e: {  	_ =	swait.ge [sflag:s16], $0x1400  }
0x4f: {  	[sflag:s16] =	ssyncset.done $0x0  }
0x50: {  	s24 =	simm.s32 $0x27D0;
	[sflag:s16] =	ssyncadd.s32 $0xFFFFEC00  }
0x51: {  	[spmem:s3] =	stream.indirect.scatter.add.f32 [tilespmem:s21], [sflag:$0x3], $0x80, s24, s17, $0xb8;
	[tilespmem:$0x1EF00] =	vst v63  }
0x52: {  	_ =	swait.ge [sflag:s15], $0x1400  }
0x53: {  	[sflag:s15] =	ssyncset.done $0x0  }
0x54: {  	s30 =	simm.s32 $0xF0;
	[sflag:s15] =	ssyncadd.s32 $0xFFFFEC00  }
0x55: {  	[tilespmem:s19], [sflag:$0x2] =	stream.indirect.gather [hbm4b:s1+s17], $0x80, s30, s17, $0xb8;
	[tilespmem:$0x1EF00] =	vst v63  }
0x56: {  	_ =	swait.ge [sflag:s31], $0x1400  }
0x57: {  	[sflag:s31] =	ssyncset.done $0x0  }
0x58: {  	s2 =	simm.s32 $0x27F8;
	[sflag:s31] =	ssyncadd.s32 $0xFFFFEC00  }
0x59: {  	[spmem:s3] =	stream.indirect.scatter.add.f32 [tilespmem:s23], [sflag:$0x4], $0x80, s2, s17, $0xb8;
	[tilespmem:$0x1EF00] =	vst v63  }
0x5a: {  	_ =	swait.ge [sflag:s16], $0x1400  }
0x5b: {  	[sflag:s16] =	ssyncset.done $0x0  }
0x5c: {  	s22 =	simm.s32 $0x118;
	[sflag:s16] =	ssyncadd.s32 $0xFFFFEC00  }
0x5d: {  	[tilespmem:s21], [sflag:$0x3] =	stream.indirect.gather [hbm4b:s1+s17], $0x80, s22, s17, $0xb8;
	[tilespmem:$0x1EF00] =	vst v63  }
0x5e: {  	_ =	swait.ge [sflag:s20], $0x1400  }
0x5f: {  	[sflag:s20] =	ssyncset.done $0x0  }
0x60: {  	s24 =	simm.s32 $0x2820;
	[sflag:s20] =	ssyncadd.s32 $0xFFFFEC00  }
0x61: {  	[spmem:s3] =	stream.indirect.scatter.add.f32 [tilespmem:s25], [sflag:$0x5], $0x80, s24, s17, $0xb8;
	[tilespmem:$0x1EF00] =	vst v63  }
0x62: {  	_ =	swait.ge [sflag:s31], $0x1400  }
0x63: {  	[sflag:s31] =	ssyncset.done $0x0  }
0x64: {  	s29 =	simm.s32 $0x0;
	s30 =	simm.s32 $0x140;
	[sflag:s31] =	ssyncadd.s32 $0xFFFFEC00  }
0x65: {  	[tilespmem:s23], [sflag:$0x4] =	stream.indirect.gather [hbm4b:s1+s17], $0x80, s30, s17, $0xb8;
	[tilespmem:$0x1EF00] =	vst v63  }
.LBB2_2:
0x66: {  	_ =	swait.ge [sflag:s14], $0x1400  }
0x67: {  	s30 =	sshra.s32 s29, $0x2;
	[sflag:s14] =	ssyncset.done $0x0  }
0x68: {  	s2 =	sadd.s32 $0x2848, s30;
	[sflag:s14] =	ssyncadd.s32 $0xFFFFEC00  }
0x69: {  	[spmem:s3] =	stream.indirect.scatter.add.f32 [tilespmem:s18], [sflag:$0x1], $0x80, s2, s17, $0xb8;
	[tilespmem:$0x1EF00] =	vst v63  }
0x6a: {  	_ =	swait.ge [sflag:s20], $0x1400  }
0x6b: {  	[sflag:s20] =	ssyncset.done $0x0  }
0x6c: {  	s0 =	sadd.s32 $0x168, s30;
	[sflag:s20] =	ssyncadd.s32 $0xFFFFEC00  }
0x6d: {  	[tilespmem:s25], [sflag:$0x5] =	stream.indirect.gather [hbm4b:s1+s17], $0x80, s0, s17, $0xb8;
	[tilespmem:$0x1EF00] =	vst v63  }
0x6e: {  	_ =	swait.ge [sflag:s15], $0x1400  }
0x6f: {  	p0 =	seq.s32 s29, $0x9600;
	[sflag:s15] =	ssyncset.done $0x0  }
0x70: {  	s22 =	sadd.s32 $0x2870, s30;
	s2 =	simm.s32 @p0 $0x3;
	[sflag:s15] =	ssyncadd.s32 $0xFFFFEC00  }
0x71: {  	[spmem:s3] =	stream.indirect.scatter.add.f32 [tilespmem:s19], [sflag:$0x2], $0x80, s22, s17, $0xb8;
	[tilespmem:$0x1EF00] =	vst v63  }
0x72: {  	_ =	swait.ge @p0 [sflag:s2], $0x1400  }
0x73: {  	[sflag:s2] =	ssyncset.done @p0 $0x0  }
0x74: {  	[sflag:s2] =	ssyncadd.s32 @p0 $0xFFFFEC00;
	s2 =	sshra.s32 @p0 s29, $0x2  }
0x75: {  	s0 =	simm.s32 @p0 $0x28;
	s22 =	simm.s32 @p0 $0x7700;
	s2 =	sadd.s32 @p0 $0x2898, s2  }
0x76: {  	[spmem:s3] =	stream.indirect.scatter.add.f32 @p0 [tilespmem:s22], [sflag:$0x3], $0x80, s2, s0, $0xb8;
	[tilespmem:$0x1EF00] =	vst v63  }
0x77: {  	s0 =	simm.s32 @!p0 $0x1  }
0x78: {  	_ =	swait.ge @!p0 [sflag:s0], $0x1400  }
0x79: {  	[sflag:s0] =	ssyncset.done @!p0 $0x0  }
0x7a: {  	[sflag:s0] =	ssyncadd.s32 @!p0 $0xFFFFEC00;
	s0 =	sshra.s32 @!p0 s29, $0x2  }
0x7b: {  	s24 =	simm.s32 @!p0 $0x4F00;
	s22 =	simm.s32 @!p0 $0x28;
	s2 =	sadd.s32 @!p0 $0x190, s0  }
0x7c: {  	[tilespmem:s24], [sflag:$0x1] =	stream.indirect.gather @!p0 [hbm4b:s1+s22], $0x80, s2, s22, $0xb8;
	[tilespmem:$0x1EF00] =	vst v63  }
0x7d: {  	s2 =	simm.s32 @!p0 $0x3  }
0x7e: {  	_ =	swait.ge @!p0 [sflag:s2], $0x1400  }
0x7f: {  	[sflag:s2] =	ssyncset.done @!p0 $0x0  }
0x80: {  	s24 =	simm.s32 @!p0 $0x7700;
	[sflag:s2] =	ssyncadd.s32 @!p0 $0xFFFFEC00;
	s2 =	sadd.s32 @!p0 $0x2898, s0  }
0x81: {  	[spmem:s3] =	stream.indirect.scatter.add.f32 @!p0 [tilespmem:s24], [sflag:$0x3], $0x80, s2, s22, $0xb8;
	[tilespmem:$0x1EF00] =	vst v63  }
0x82: {  	s2 =	simm.s32 @!p0 $0x2  }
0x83: {  	_ =	swait.ge @!p0 [sflag:s2], $0x1400  }
0x84: {  	[sflag:s2] =	ssyncset.done @!p0 $0x0  }
0x85: {  	s0 =	sadd.s32 @!p0 $0x1B8, s0;
	[sflag:s2] =	ssyncadd.s32 @!p0 $0xFFFFEC00;
	s2 =	simm.s32 @!p0 $0x6300  }
0x86: {  	[tilespmem:s2], [sflag:$0x2] =	stream.indirect.gather @!p0 [hbm4b:s1+s22], $0x80, s0, s22, $0xb8;
	[tilespmem:$0x1EF00] =	vst v63  }
.Ltmp2:
0x87: {  	_ = 	snop;
	(pc) =	sbr.rel @p0 .LBB2_4-.Ltmp2, $4  }
0x88: {  	_ =	swait.ge [sflag:s31], $0x1400  }
0x89: {  	[sflag:s31] =	ssyncset.done $0x0  }
0x8a: {  	s24 =	sadd.s32 $0x28C0, s30;
	s2 =	sadd.s32 $0x28E8, s30;
	[sflag:s31] =	ssyncadd.s32 $0xFFFFEC00  }
0x8b: {  	[spmem:s3] =	stream.indirect.scatter.add.f32 [tilespmem:s23], [sflag:$0x4], $0x80, s24, s17, $0xb8;
	[tilespmem:$0x1EF00] =	vst v63  }
0x8c: {  	_ =	swait.ge [sflag:s16], $0x1400  }
0x8d: {  	[sflag:s16] =	ssyncset.done $0x0  }
0x8e: {  	s0 =	sadd.s32 $0x1E0, s30;
	[sflag:s16] =	ssyncadd.s32 $0xFFFFEC00  }
0x8f: {  	[tilespmem:s21], [sflag:$0x3] =	stream.indirect.gather [hbm4b:s1+s17], $0x80, s0, s17, $0xb8;
	[tilespmem:$0x1EF00] =	vst v63  }
0x90: {  	_ =	swait.ge [sflag:s20], $0x1400  }
0x91: {  	[sflag:s20] =	ssyncset.done $0x0  }
0x92: {  	[sflag:s20] =	ssyncadd.s32 $0xFFFFEC00  }
0x93: {  	[spmem:s3] =	stream.indirect.scatter.add.f32 [tilespmem:s25], [sflag:$0x5], $0x80, s2, s17, $0xb8;
	[tilespmem:$0x1EF00] =	vst v63  }
.Ltmp3:
0x94: {  	_ = 	snop;
	(pc) =	sbr.rel .LBB2_2-.Ltmp3, $4  }
0x95: {  	_ =	swait.ge [sflag:s31], $0x1400  }
0x96: {  	[sflag:s31] =	ssyncset.done $0x0  }
0x97: {  	s30 =	sadd.s32 $0x208, s30;
	s29 =	sadd.s32 $0x320, s29;
	[sflag:s31] =	ssyncadd.s32 $0xFFFFEC00  }
0x98: {  	[tilespmem:s23], [sflag:$0x4] =	stream.indirect.gather [hbm4b:s1+s17], $0x80, s30, s17, $0xb8;
	[tilespmem:$0x1EF00] =	vst v63  }
.LBB2_5:
0x99: {  	_ =	sfence.sel $0x180000  }
0x9a: {  	[bflag:$0x0] =	sbarrier.arrive $0xFFFF  }
0x9b: {  	_ =	strace $0x9000004D  }
0x9c: {  	s0 =	stileid.u32;
	[bflag:$0x2] =	sbarrier.arrive $0xFFFF  }
0x9d: {  	p0 =	sne.s32 s0, $0x0;
	s0 =	rddreg [dreg:$0x3]  }
0x9e: {  	s0 =	sadd.s32 @!p0 $0x100000, s0  }
0x9f: {  	[sflag:s0] =	ssyncadd.tile.s32 @!p0 $0x1;
	_ =	shalt  }
.Lfunc_end2:
_tile_overlayer_lowered:
.L_overlay_start_2:
0xa0: {  	(tag) =	ssettag $0x2  }
0xa1: {  	s0 =	rddreg [dreg:$0x0];
	s2 =	stileid.u32  }
0xa2: {  	s1 =	rddreg [dreg:$0x1];
	p0 =	sne.s32 s2, $0x0  }
0xa3: {  	s3 =	rddreg [dreg:$0x2];
	[bflag:$0x3] =	sbarrier.arrive $0xFFFF;
	s2 =	simm.s32 @!p0 $0x1C06  }
0xa4: {  	[timem:s3], [sflag:s2] =	dma.local @!p0 [hbm:s0], s1  }
0xa5: {  	s0 =	simm.s32 @!p0 $0x6  }
0xa6: {  	_ =	swait.ge @!p0 [sflag:s0], s1  }
0xa7: {  	s1 =	ssub.s32 @!p0 $0x0, s1;
	[sflag:s0] =	ssyncset.done @!p0 $0x0  }
0xa8: {  	[sflag:s0] =	ssyncadd.s32 @!p0 s1  }
0xa9: {  	[bflag:$0x3] =	sbarrier.arrive $0xFFFF  }
0xaa: {  	_ =	shalt  }

// kernel: kernel.7.cloned.1.call-start
scs
__scs_entry_jumppad:
0x0: {  	(pc) =	sbr.rel $0x88, $3  }
0x1: {  	(tag) =	ssettag $0x0;
	lr =	simm.s32 $0x1  }
0x2: {  	[smem:$0x3F99] =	sst lr;
	_ =	strace $0xD0000000  }
0x3: {  	_ = 	snop  }
0x4: {  	_ = 	snop  }
0x5: {  	_ = 	snop  }
0x6: {  	_ = 	snop  }
0x7: {  	_ = 	snop  }
__scs_overlays_trampoline_lowered:
0x8: {  	[smem:$0x3FA8] =	sst s0  }
0x9: {  	[smem:$0x3FA9] =	sst s1  }
0xa: {  	[smem:$0x3FAA] =	sst s2  }
0xb: {  	[smem:$0x3FAB] =	sst s3  }
0xc: {  	[smem:$0x3FAC] =	sst s4  }
0xd: {  	[smem:$0x3FAD] =	sst s5  }
0xe: {  	[smem:$0x3FAE] =	sst s6  }
0xf: {  	[smem:$0x3FAF] =	sst s7  }
0x10: {  	[smem:$0x3FB0] =	sst s8  }
0x11: {  	[smem:$0x3FB1] =	sst s9;
	s0 =	simm.s32 @!p0 $0x0  }
0x12: {  	s1 =	sld [smem:$0x3F97];
	s0 =	simm.s32 @p0 $0x1  }
0x13: {  	[smem:$0x3FB2] =	sst s0;
	s0 =	simm.s32 @!p1 $0x0  }
0x14: {  	s2 =	sld [smem:$0x3F96];
	s0 =	simm.s32 @p1 $0x1  }
0x15: {  	[smem:$0x3FB3] =	sst s0;
	s0 =	simm.s32 @!p2 $0x0  }
0x16: {  	s3 =	sld [smem:$0x3FDB];
	s0 =	simm.s32 @p2 $0x1  }
0x17: {  	s4 =	simm.s32 $0x1BF5;
	[smem:$0x3FB5] =	sst s0  }
0x18: {  	s0 =	sld [smem:$0x3F98];
	_ =	swait.ge [sflag:s4], $0x0  }
0x19: {  	s7 =	sld [smem:$0x3F99]  }
0x1a: {  	s8 =	sadd.s32 $0xFFFFE003, lr  }
0x1b: {  	s9 =	sadd.s32 $0xFFFFFEF7, lr;
	s5 =	simm.s32 $0xFFFFFFFF;
	p2 =	slt.u32 s8, $0xFFFFF086  }
0x1c: {  	p1 =	slt.u32 s9, $0xF7A;
	s5 =	simm.s32 @!p2 $0x0  }
0x1d: {  	s5 =	simm.s32 @p1 $0x1;
	p0 =	seq.s32 s7, s2  }
0x1e: {  	s7 =	smul.u32 @!p0 $0xF7A, s2;
	p2 =	seq.s32 @!p0 s5, $0x0  }
0x1f: {  	s9 =	smul.u32 $0xF7A, s1;
	s8 =	simm.s32 @!p0 $0x1BF5;
	p2 =	por !p2, p0  }
0x20: {  	[sflag:s8] =	ssyncset.s32 @!p0 $0xFFFFF086;
	s6 =	sadd.s32 @!p0 s3, s7;
	s7 =	simm.s32 @!p0 $0x108  }
0x21: {  	s3 =	sadd.s32 s3, s9;
	s6 =	sadd.s32 @!p0 $0x88, s6;
	s7 =	simm.s32 @p2 $0x1082  }
0x22: {  	[simem:s7], [sflag:s8] =	dma.local @!p0 [hbm:s6], $0xF7A  }
0x23: {  	s9 =	sor.u32 $0xD0000000, s2;
	s6 =	simm.s32 $0x108;
	_ =	swait.ge @!p0 [sflag:s8], $0x0  }
0x24: {  	s3 =	sadd.s32 $0x88, s3;
	s6 =	simm.s32 @!p1 $0x1082;
	[sflag:s4] =	ssyncset.s32 $0xFFFFF086  }
0x25: {  	[simem:s6], [sflag:s4] =	dma.local [hbm:s3], $0xF7A  }
0x26: {  	[smem:$0x3F99] =	sst s1;
	(tag) =	ssettag s2;
	_ =	strace s9  }
0x27: {  	s1 =	sld [smem:$0x3FA9]  }
0x28: {  	s2 =	sld [smem:$0x3FAA]  }
0x29: {  	s4 =	sld [smem:$0x3FAC]  }
0x2a: {  	p0 =	seq.s32 s5, $0x0;
	s5 =	sld [smem:$0x3FAD]  }
0x2b: {  	s6 =	sld [smem:$0x3FAE]  }
0x2c: {  	s7 =	sld [smem:$0x3FAF]  }
0x2d: {  	s3 =	simm.s32 $0x108;
	s8 =	sld [smem:$0x3FB0]  }
0x2e: {  	s3 =	simm.s32 @!p0 $0x1082;
	s9 =	sld [smem:$0x3FB1]  }
0x2f: {  	lr =	sadd.s32 s0, s3;
	s0 =	sld [smem:$0x3FA8]  }
0x30: {  	s3 =	sld [smem:$0x3FAB]  }
0x31: {  	[smem:$0x3FB4] =	sst s10  }
0x32: {  	s10 =	sld [smem:$0x3FB2];
	_ =	sdelay $0x3  }
0x33: {  	p0 =	seq.s32 s10, $0x1;
	s10 =	sld [smem:$0x3FB4];
	_ =	sdelay $0x3  }
0x34: {  	[smem:$0x3FB4] =	sst s10  }
0x35: {  	s10 =	sld [smem:$0x3FB3];
	_ =	sdelay $0x3  }
0x36: {  	p1 =	seq.s32 s10, $0x1;
	s10 =	sld [smem:$0x3FB4];
	_ =	sdelay $0x3  }
0x37: {  	[smem:$0x3FB4] =	sst s10  }
0x38: {  	s10 =	sld [smem:$0x3FB5]  }
0x39: {  	_ = 	snop;
	(pc) =	sbr.ind lr, $3  }
0x3a: {  	_ = 	snop  }
0x3b: {  	_ = 	snop  }
0x3c: {  	p2 =	seq.s32 s10, $0x1;
	s10 =	sld [smem:$0x3FB4]  }
0x3d: {  	_ =	shalt  }
0x3e: {  	_ =	shalt  }
0x3f: {  	_ =	shalt  }
0x40: {  	_ =	shalt  }
0x41: {  	_ =	shalt  }
0x42: {  	_ =	shalt  }
0x43: {  	_ =	shalt  }
0x44: {  	_ =	shalt  }
0x45: {  	_ =	shalt  }
0x46: {  	_ =	shalt  }
0x47: {  	_ =	shalt  }
0x48: {  	_ =	shalt  }
0x49: {  	_ =	shalt  }
0x4a: {  	_ =	shalt  }
0x4b: {  	_ =	shalt  }
0x4c: {  	_ =	shalt  }
0x4d: {  	_ =	shalt  }
0x4e: {  	_ =	shalt  }
0x4f: {  	_ =	shalt  }
0x50: {  	_ =	shalt  }
0x51: {  	_ =	shalt  }
0x52: {  	_ =	shalt  }
0x53: {  	_ =	shalt  }
0x54: {  	_ =	shalt  }
0x55: {  	_ =	shalt  }
0x56: {  	_ =	shalt  }
0x57: {  	_ =	shalt  }
0x58: {  	_ =	shalt  }
0x59: {  	_ =	shalt  }
0x5a: {  	_ =	shalt  }
0x5b: {  	_ =	shalt  }
0x5c: {  	_ =	shalt  }
0x5d: {  	_ =	shalt  }
0x5e: {  	_ =	shalt  }
0x5f: {  	_ =	shalt  }
0x60: {  	_ =	shalt  }
0x61: {  	_ =	shalt  }
0x62: {  	_ =	shalt  }
0x63: {  	_ =	shalt  }
0x64: {  	_ =	shalt  }
0x65: {  	_ =	shalt  }
0x66: {  	_ =	shalt  }
0x67: {  	_ =	shalt  }
0x68: {  	_ =	shalt  }
0x69: {  	_ =	shalt  }
0x6a: {  	_ =	shalt  }
0x6b: {  	_ =	shalt  }
0x6c: {  	_ =	shalt  }
0x6d: {  	_ =	shalt  }
0x6e: {  	_ =	shalt  }
0x6f: {  	_ =	shalt  }
0x70: {  	_ =	shalt  }
0x71: {  	_ =	shalt  }
0x72: {  	_ =	shalt  }
0x73: {  	_ =	shalt  }
0x74: {  	_ =	shalt  }
0x75: {  	_ =	shalt  }
0x76: {  	_ =	shalt  }
0x77: {  	_ =	shalt  }
0x78: {  	_ =	shalt  }
0x79: {  	_ =	shalt  }
0x7a: {  	_ =	shalt  }
0x7b: {  	_ =	shalt  }
0x7c: {  	_ =	shalt  }
0x7d: {  	_ =	shalt  }
0x7e: {  	_ =	shalt  }
0x7f: {  	_ =	shalt  }
0x80: {  	_ =	shalt  }
0x81: {  	_ =	shalt  }
0x82: {  	_ =	shalt  }
0x83: {  	_ =	shalt  }
0x84: {  	_ =	shalt  }
0x85: {  	_ =	shalt  }
0x86: {  	_ =	shalt  }
0x87: {  	_ =	shalt  }
.Lfunc_end0:
.L_simem_size_0:
called_computation_lowered:
.L_overlay_start_0:
0x88: {  	s2 =	sld [smem:$0x3FD9]  }
0x89: {  	s3 =	sld [smem:$0x3FFE];
	_ =	sdelay $0x1  }
0x8a: {  	s1 =	srdreg.scid  }
0x8b: {  	s0 =	sand.u32 $0x1, s1  }
0x8c: {  	s17 =	sshll.u32 s0, $0xA;
	s2 =	sadd.s32 s3, s2  }
0x8d: {  	s2 =	sadd.s32 s2, s17  }
0x8e: {  	[smem:$0x3FC0] =	sst s2  }
0x8f: {  	_ = 	snop  }
0x90: {  	s2 =	sld [smem:$0x3FD0];
	(tm) =	ssettm $0x1  }
0x91: {  	s18 =	sld [smem:$0x3FFB];
	_ =	sdelay $0x3  }
0x92: {  	_ =	strace s18  }
0x93: {  	s3 =	sld [smem:$0x3FFC];
	_ =	sdelay $0x3  }
0x94: {  	_ =	strace s3  }
0x95: {  	s3 =	sld [smem:$0x3FFD];
	_ =	sdelay $0x3  }
0x96: {  	_ =	strace s3  }
0x97: {  	_ =	strace $0x8FFFFFFF  }
0x98: {  	s19 =	sld [smem:$0x3FDB];
	_ =	sdelay $0x1  }
0x99: {  	s4 =	simm.s32 $_scs_section_size  }
0x9a: {  	s5 =	simm.s32 $_size__tile_overlayer_lowered;
	s6 =	simm.s32 $_tile_overlayer_lowered  }
0x9b: {  	s22 =	simm.s32 $0x1BFF;
	s21 =	sshll.u32 s6, $0x1;
	s3 =	sadd.s32 s4, s19  }
0x9c: {  	s7 =	simm.s32 $0x0;
	s20 =	sshll.u32 s5, $0x1;
	s5 =	sadd.s32 s21, s3  }
0x9d: {  	[timem:s7], [sflag:s22] =	dma.local [hbm:s5], s20  }
0x9e: {  	_ =	swait.ge [sflag:s22], s20  }
0x9f: {  	s4 =	ssub.s32 $0x0, s20;
	[sflag:s22] =	ssyncset.done $0x0  }
0xa0: {  	[sflag:s22] =	ssyncadd.s32 s4;
	_ =	sdelay $0x1  }
0xa1: {  	s23 =	simm.s32 $0x1B8B  }
0xa2: {  	_ =	swait.ge [sflag:s23], $0x1  }
0xa3: {  	[sflag:s23] =	ssyncset.done $0x0  }
0xa4: {  	s25 =	simm.s32 $0x1B8E;
	s24 =	sld [smem:$0x3FFE];
	[sflag:s23] =	ssyncadd.s32 $0xFFFFFFFF  }
0xa5: {  	s26 =	simm.s32 $execute0_lowered;
	[smem:$0x3FD2] =	sst s25  }
0xa6: {  	s5 =	sshll.u32 s26, $0x1;
	_ =	strace $0x80000046;
	[dreg:$0x1] =	wrdreg $0xFFFFFFFF  }
0xa7: {  	s28 =	simm.s32 $_size_execute0_lowered;
	s3 =	sadd.s32 s3, s5;
	[dreg:$0x0] =	wrdreg $0x0  }
0xa8: {  	s5 =	sshll.u32 s28, $0x1;
	[dreg:$0x2] =	wrdreg s3  }
0xa9: {  	[dreg:$0x3] =	wrdreg s5  }
0xaa: {  	[dreg:$0x4] =	wrdreg $0xC0  }
0xab: {  	_ =	task [dreg:s7], $0x5FFFF  }
0xac: {  	[dreg:$0x1] =	wrdreg $0xFFFFFFFF  }
0xad: {  	[dreg:$0x0] =	wrdreg $0x60  }
0xae: {  	[dreg:$0x2] =	wrdreg s24  }
0xaf: {  	[dreg:$0x3] =	wrdreg s2  }
0xb0: {  	[dreg:$0x4] =	wrdreg $0x9  }
0xb1: {  	_ =	task.clear_ibuf [dreg:s7], $0x5FFFF;
	_ =	strace $0x90000046  }
0xb2: {  	s29 =	simm.s32 $0x9;
	_ =	strace $0x80000048  }
0xb3: {  	_ =	swait.ge [sflag:s29], $0x1  }
0xb4: {  	[sflag:s29] =	ssyncadd.s32 $0xFFFFFFFF  }
0xb5: {  	_ =	strace $0x90000048  }
0xb6: {  	_ =	sfence  }
0xb7: {  	s30 =	sld [smem:$0x0];
	_ =	sdelay $0x2  }
0xb8: {  	s31 =	sshll.u32 s1, $0xD;
	s1 =	sshrl.u32 s1, $0x2  }
0xb9: {  	s3 =	sand.u32 $0x4000, s31;
	s1 =	sadd.s32 s1, s30  }
0xba: {  	s0 =	sor.u32 s3, s0;
	s1 =	sshll.u32 s1, $0x11  }
0xbb: {  	s0 =	sor.u32 s1, s0  }
0xbc: {  	s0 =	sadd.s32 $0x8F2B, s0  }
0xbd: {  	[sflag:s0] =	ssyncadd.remote.s32 $0x1  }
0xbe: {  	_ =	sfence.sel $0xFFFF  }
0xbf: {  	[dreg:$0x0] =	wrdreg $0xFFFFFFFF;
	(pc) =	sbr.abs _section_cstart, $3  }
0xc0: {  	[dreg:$0x1] =	wrdreg $0xFFFFFFFF  }
0xc1: {  	_ =	task.clear_ibuf [dreg:s7], $0x2FFFF;
	_ =	strace $0x9FFFFFFF  }
0xc2: {  	(tm) =	ssettm $0x7FFFFFFF  }
0xc3: {  	_ =	shalt  }
tec
execute0_lowered:
.L_overlay_start_1:
0x0: {  	(tag) =	ssettag $0x1  }
0x1: {  	s0 =	srdreg.scid  }
0x2: {  	s3 =	sand.u32 $0x1, s0  }
0x3: {  	s0 =	stileid.u32;
	s1 =	sshll.u32 s3, $0x4  }
0x4: {  	s4 =	rddreg [dreg:$0x0];
	s1 =	sor.u32 s0, s1  }
0x5: {  	s5 =	rddreg [dreg:$0x1];
	s2 =	simm.s32 $0x0;
	s6 =	smul.u32 $0x2780, s1  }
0x6: {  	s8 =	simm.s32 $0x2;
	s9 =	simm.s32 $0x0;
	s3 =	ssub.s32 $0x2, s3  }
0x7: {  	[smem:$0x7FF] =	sst s2;
	s7 =	sshrl.u32 s3, $0x1;
	s6 =	sshrl.u32 s6, $0x3  }
0x8: {  	s1 =	rddreg [dreg:$0x2];
	_ =	strace $0x80000047;
	s4 =	sadd.s32 s4, s6  }
0x9: {  	s7 =	ssub.s32 s3, s7;
	s3 =	sadd.s32 $0xC400, s4;
	s4 =	sadd.s32 s5, s6  }
0xa: {  	v0 =	vimm.f32 $0.0e+00;
	v1 =	vimm.f32 $1.000000000e+00;
	s5 =	smax.u32 s7, $0x1;
	s6 =	simm.s32 $0x1;
	s7 =	simm.s32 $0x2780  }
.LBB2_1:
0xb: {  	[tilespmem:s2], [sflag:$0x1] =	stream.linear.gather [hbm4b:s3+s2], $0x2780, $0x38;
	[tilespmem:$0x4F00] =	vst v63  }
0xc: {  	s10 =	simm.s32 $0x40;
	s11 =	simm.s32 $0x0  }
.LBB2_2:
0xd: {  	p0 =	sne.s32 s10, $0x9DC0;
	[tilespmem:s11+$0x2780] =	vst v0;
	s11 =	smov.u32 s10;
	s10 =	sadd.s32 $0x40, s10  }
.Ltmp0:
0xe: {  	(pc) =	sbr.rel @p0 .LBB2_2-.Ltmp0, $2  }
0xf: {  	_ =	sdelay $0x2  }
0x10: {  	s11 =	sshra.s32 s11, $0x2  }
0x11: {  	[tilespmem:s11+$0x2780] =	vst v0  }
0x12: {  	_ =	swait.ge [sflag:s6], $0x2780  }
0x13: {  	[sflag:s6] =	ssyncset.done $0x0  }
0x14: {  	s11 =	simm.s32 $0x0;
	s10 =	simm.s32 $0x40;
	[sflag:s6] =	ssyncadd.s32 $0xFFFFD880  }
.LBB2_4:
0x15: {  	p0 =	sne.s32 s10, $0x9C00;
	v2 =	vld [tilespmem:s11+$0x0];
	_ =	sdelay $0x3  }
.Ltmp1:
0x16: {  	(pc) =	sbr.rel @p0 .LBB2_4-.Ltmp1, $2  }
0x17: {  	_ =	sdelay $0x2  }
0x18: {  	s11 =	sshra.s32 s10, $0x2;
	s10 =	sadd.s32 $0x40, s10;
	[tilespmem:v2+s7+$0x0] =	vst.idx.add.f32.msk $0xffff, v1  }
0x19: {  	v2 =	vld [tilespmem:s11+$0x0];
	_ =	sdelay $0x5  }
0x1a: {  	s9 =	sadd.s32 $0x1, s9  }
0x1b: {  	p0 =	sne.s32 s9, s5  }
.Ltmp2:
0x1c: {  	[tilespmem:v2+s7+$0x0] =	vst.idx.add.f32.msk $0xffff, v1;
	(pc) =	sbr.rel @p0 .LBB2_1-.Ltmp2, $4  }
0x1d: {  	[hbm4b:s4+s2] =	stream.linear.scatter [tilespmem:s7], [sflag:$0x2], $0x2780, $0x38;
	[tilespmem:$0x4F00] =	vst v63  }
0x1e: {  	_ =	swait.ge [sflag:s8], $0x2780  }
0x1f: {  	[sflag:s8] =	ssyncset.done $0x0  }
0x20: {  	[sflag:s8] =	ssyncadd.s32 $0xFFFFD880  }
0x21: {  	_ =	sfence.sel $0x180000  }
0x22: {  	[bflag:$0x0] =	sbarrier.arrive $0xFFFF  }
0x23: {  	p0 =	sne.s32 s0, $0x0;
	_ =	strace $0x90000047  }
0x24: {  	s0 =	sadd.s32 @!p0 $0x100000, s1;
	[bflag:$0x2] =	sbarrier.arrive $0xFFFF  }
0x25: {  	[sflag:s0] =	ssyncadd.tile.s32 @!p0 $0x1;
	_ =	shalt  }
.Lfunc_end2:
_tile_overlayer_lowered:
.L_overlay_start_2:
0x26: {  	(tag) =	ssettag $0x2  }
0x27: {  	s0 =	rddreg [dreg:$0x0];
	s2 =	stileid.u32  }
0x28: {  	s1 =	rddreg [dreg:$0x1];
	p0 =	sne.s32 s2, $0x0  }
0x29: {  	s3 =	rddreg [dreg:$0x2];
	[bflag:$0x3] =	sbarrier.arrive $0xFFFF;
	s2 =	simm.s32 @!p0 $0x1C02  }
0x2a: {  	[timem:s3], [sflag:s2] =	dma.local @!p0 [hbm:s0], s1  }
0x2b: {  	s0 =	simm.s32 @!p0 $0x2  }
0x2c: {  	_ =	swait.ge @!p0 [sflag:s0], s1  }
0x2d: {  	s1 =	ssub.s32 @!p0 $0x0, s1;
	[sflag:s0] =	ssyncset.done @!p0 $0x0  }
0x2e: {  	[sflag:s0] =	ssyncadd.s32 @!p0 s1  }
0x2f: {  	[bflag:$0x3] =	sbarrier.arrive $0xFFFF  }
0x30: {  	_ =	shalt  }

</sc_bundles>
